<compile_context>
chip_gen: v7x
topology: tpu7x:2x2x1
jax: 0.10.2.dev20260603
libtpu: 0.0.44.dev20260713+nightly
codegen_flags: <defaults>
</compile_context>

<pallas_src>
import functools

import jax
import jax.numpy as jnp
from jax import lax
from jax.experimental import pallas as pl
from jax.experimental.pallas import tpu as pltpu
from jax.experimental.pallas import tpu_sc as plsc

N_NODES = 10000
IN_DIM = 128
HIDDEN = 64
NUM_CLASSES = 7
N_EDGES = 320000

NC = 2
NS = 16
NW = NC * NS
EPW = N_EDGES // NW
BATCH = 80
NB = EPW // BATCH
NP = 10240
RPT = NP // NS
DEGW = 16

_mesh = plsc.VectorSubcoreMesh(
    core_axis_name="c", subcore_axis_name="s", num_cores=NC, num_subcores=NS)


def _sc_degree_body(dst_hbm, ones_hbm, zeros_hbm, out_hbm, idx_v, ones_v, acc_sh):
    cid = lax.axis_index("c")
    sid = lax.axis_index("s")
    wid = sid * NC + cid
    pltpu.sync_copy(dst_hbm.at[wid], idx_v)
    pltpu.sync_copy(ones_hbm, ones_v)
    rows = pl.ds(sid * RPT, RPT)
    pltpu.sync_copy(zeros_hbm.at[rows], acc_sh.at[rows])
    plsc.subcore_barrier()

    def body(i, carry):
        pltpu.sync_copy(ones_v, acc_sh.at[idx_v.at[i]], add=True)
        return carry

    lax.fori_loop(0, NB, body, 0)
    plsc.subcore_barrier()
    pltpu.sync_copy(acc_sh.at[rows], out_hbm.at[cid, rows])


_sc_degree = pl.kernel(
    _sc_degree_body,
    out_type=jax.ShapeDtypeStruct((NC, NP, DEGW), jnp.float32),
    mesh=_mesh,
    scratch_types=[
        pltpu.VMEM((NB, BATCH), jnp.int32),
        pltpu.VMEM((BATCH, DEGW), jnp.float32),
        pltpu.VMEM_SHARED((NP, DEGW), jnp.float32),
    ],
    compiler_params=pltpu.CompilerParams(use_tc_tiling_on_sc=False),
)


def _sc_edges_body(h2_hbm, src_hbm, dst_hbm, zeros_hbm, out_hbm,
                   src_v, dst_v, rows_a, rows_b, acc_sh, sem_a, sem_b):
    cid = lax.axis_index("c")
    sid = lax.axis_index("s")
    wid = sid * NC + cid
    pltpu.sync_copy(src_hbm.at[wid], src_v)
    pltpu.sync_copy(dst_hbm.at[wid], dst_v)
    rows = pl.ds(sid * RPT, RPT)
    pltpu.sync_copy(zeros_hbm.at[rows], acc_sh.at[rows])
    plsc.subcore_barrier()

    def gather(i, buf, sem):
        pltpu.async_copy(h2_hbm.at[src_v.at[i]], buf, sem)

    def gwait(buf, sem):
        pltpu.make_async_copy(h2_hbm.at[src_v.at[0]], buf, sem).wait()

    def scatter(i, buf):
        pltpu.sync_copy(buf, acc_sh.at[dst_v.at[i]], add=True)

    gather(0, rows_a, sem_a)

    def body(io, carry):
        b0 = 2 * io
        gather(b0 + 1, rows_b, sem_b)
        gwait(rows_a, sem_a)
        scatter(b0, rows_a)
        gather(b0 + 2, rows_a, sem_a)
        gwait(rows_b, sem_b)
        scatter(b0 + 1, rows_b)
        return carry

    lax.fori_loop(0, (NB - 1) // 2, body, 0)
    gwait(rows_a, sem_a)
    scatter(NB - 1, rows_a)
    plsc.subcore_barrier()
    pltpu.sync_copy(acc_sh.at[rows], out_hbm.at[cid, rows])


_sc_edges = pl.kernel(
    _sc_edges_body,
    out_type=jax.ShapeDtypeStruct((NC, NP, HIDDEN), jnp.float32),
    mesh=_mesh,
    scratch_types=[
        pltpu.VMEM((NB, BATCH), jnp.int32),
        pltpu.VMEM((NB, BATCH), jnp.int32),
        pltpu.VMEM((BATCH, HIDDEN), jnp.float32),
        pltpu.VMEM((BATCH, HIDDEN), jnp.float32),
        pltpu.VMEM_SHARED((NP, HIDDEN), jnp.float32),
        pltpu.SemaphoreType.DMA,
        pltpu.SemaphoreType.DMA,
    ],
    compiler_params=pltpu.CompilerParams(use_tc_tiling_on_sc=False),
)


def _tc_h2_body(x_ref, w_ref, degp_ref, h2_ref, dis_ref):
    deg = degp_ref[0][:, :1] + degp_ref[1][:, :1] + 1.0
    dis = lax.rsqrt(deg)
    h = jnp.dot(x_ref[...], w_ref[...], preferred_element_type=jnp.float32)
    h2_ref[:N_NODES] = h * dis[:N_NODES]
    h2_ref[N_NODES:] = jnp.zeros((NP - N_NODES, HIDDEN), jnp.float32)
    dis_ref[...] = dis


_tc_h2 = pl.pallas_call(
    _tc_h2_body,
    out_shape=(
        jax.ShapeDtypeStruct((NP, HIDDEN), jnp.float32),
        jax.ShapeDtypeStruct((NP, 1), jnp.float32),
    ),
)


def _tc_out_body(acc_ref, h2_ref, dis_ref, bg_ref, wc_ref, bc_ref, out_ref):
    s = (acc_ref[0] + acc_ref[1] + h2_ref[...]) * dis_ref[...] + bg_ref[...]
    g = jnp.maximum(s, 0.0)
    out_ref[...] = (
        jnp.dot(g, wc_ref[...], preferred_element_type=jnp.float32)
        + bc_ref[...])


_tc_out = pl.pallas_call(
    _tc_out_body,
    out_shape=jax.ShapeDtypeStruct((NP, NUM_CLASSES), jnp.float32),
)


def kernel(x, edge_index, W_gcn, b_gcn, W_cls, b_cls):
    ei = edge_index.astype(jnp.int32)
    src3 = ei[0].reshape(NW, NB, BATCH)
    dst3 = ei[1].reshape(NW, NB, BATCH)
    ones_deg = jnp.ones((BATCH, DEGW), jnp.float32)
    zeros_deg = jnp.zeros((NP, DEGW), jnp.float32)
    zeros_acc = jnp.zeros((NP, HIDDEN), jnp.float32)

    degp = _sc_degree(dst3, ones_deg, zeros_deg)
    h2, dis = _tc_h2(x, W_gcn, degp)
    acc = _sc_edges(h2, src3, dst3, zeros_acc)
    logits = _tc_out(acc, h2, dis,
                     b_gcn.reshape(1, HIDDEN),
                     W_cls, b_cls.reshape(1, NUM_CLASSES))
    return logits[:N_NODES]

# --- scband reference (transcript-rebuilt; emitter-appended) ---
"""Pipeline reference for scband-standard-node-gcn-7103875908247 (READ-ONLY COPY).

The authoritative reference and input builder live on the scoring server;
editing this copy changes nothing except your own understanding.
"""

import jax, jax.numpy as jnp
import numpy as np

N_NODES = 10000
IN_DIM = 128
HIDDEN = 64
NUM_CLASSES = 7
N_EDGES = 320000


def setup_inputs(seed: int = 0) -> dict:
    key = jax.random.key(seed)
    k1, k2, k3, k4, k5, k6 = jax.random.split(key, 6)
    x = jax.random.normal(k1, (N_NODES, IN_DIM), dtype=jnp.float32)
    edge_index = jax.random.randint(k2, (2, N_EDGES), 0, N_NODES, dtype=jnp.int64)
    # GCNConv params (glorot weight, zero bias per PyG defaults)
    limit_g = float(np.sqrt(6.0 / (IN_DIM + HIDDEN)))
    W_gcn = jax.random.uniform(k3, (IN_DIM, HIDDEN), dtype=jnp.float32, minval=-limit_g, maxval=limit_g)
    b_gcn = jnp.zeros((HIDDEN,), dtype=jnp.float32)
    # Linear classifier params (kaiming-uniform-ish)
    limit_c = float(np.sqrt(1.0 / HIDDEN))
    W_cls = jax.random.uniform(k4, (HIDDEN, NUM_CLASSES), dtype=jnp.float32, minval=-limit_c, maxval=limit_c)
    b_cls = jax.random.uniform(k5, (NUM_CLASSES,), dtype=jnp.float32, minval=-limit_c, maxval=limit_c)
    return {"x": x, "edge_index": edge_index, "W_gcn": W_gcn, "b_gcn": b_gcn, "W_cls": W_cls, "b_cls": b_cls}


def _gcn_conv(x, edge_index, W, b):
    # Faithful PyG GCNConv: add self-loops, symmetric normalization, scatter-add aggregation.
    N = x.shape[0]
    loop = jnp.arange(N, dtype=edge_index.dtype)
    src = jnp.concatenate([edge_index[0], loop])
    dst = jnp.concatenate([edge_index[1], loop])
    ones = jnp.ones(src.shape[0], dtype=x.dtype)
    deg = jnp.zeros((N,), dtype=x.dtype).at[dst].add(ones)
    deg_inv_sqrt = jnp.where(deg > 0, jax.lax.rsqrt(jnp.maximum(deg, 1e-12)), 0.0)
    norm = deg_inv_sqrt[src] * deg_inv_sqrt[dst]
    h = x @ W
    msgs = h[src] * norm[:, None]
    out = jnp.zeros((N, h.shape[1]), dtype=x.dtype).at[dst].add(msgs)
    return out + b


def reference(x, edge_index, W_gcn, b_gcn, W_cls, b_cls):
    h = _gcn_conv(x, edge_index, W_gcn, b_gcn)
    h = jax.nn.relu(h)
    logits = h @ W_cls + b_cls
    return logits

if __name__ == "__main__":
    import jax
    _d = setup_inputs()
    print(jax.jit(kernel)(*tuple(_d.values())))

</pallas_src>

<mosaic_0001>
#map = affine_map<(d0, d1) -> (0, 0, 0)>
#map1 = affine_map<(d0, d1) -> (0, 0)>
module attributes {stable_mosaic.version = 14 : i64} {
  func.func @_sc_degree_body(%arg0: i32, %arg1: i32, %arg2: memref<32x125x80xi32, #tpu.memory_space<hbm>>, %arg3: memref<80x16xf32, #tpu.memory_space<hbm>>, %arg4: memref<10240x16xf32, #tpu.memory_space<hbm>>, %arg5: memref<2x10240x16xf32, #tpu.memory_space<hbm>>, %arg6: memref<125x80xi32, #tpu.memory_space<vmem>>, %arg7: memref<80x16xf32, #tpu.memory_space<vmem>>, %arg8: memref<10240x16xf32, #tpu.memory_space<vmem_shared>>) attributes {dimension_semantics = [#tpu.dimension_semantics<core_parallel>, #tpu.dimension_semantics<subcore_parallel>], iteration_bounds = array<i64: 2, 16>, scalar_prefetch = 0 : i64, scratch_operands = 3 : i64, tpu.core_type = #tpu.core_type<sc_vector_subcore>, window_params = [{transform_indices = #map}, {transform_indices = #map1}, {transform_indices = #map1}, {transform_indices = #map}]} {
    %mul3A = arith.constant 2 : i32
    %mul3A_0 = arith.muli %arg1, %mul3A : i32
    %add3A = arith.addi %mul3A_0, %arg0 : i32
    "tpu.region"() ({
      %run_scoped3A = tpu.sem_alloc : memref<!tpu.dma_semaphore, #tpu.memory_space<semaphore_mem>>
      %dma_start3A = arith.constant 0 : i32
      %dma_start3A_9 = arith.constant 0 : i32
      %dma_start3A_10 = tpu.memref_slice %arg2[%add3A, %dma_start3A, %dma_start3A_9] : memref<32x125x80xi32, #tpu.memory_space<hbm>> -> memref<1x125x80xi32, #tpu.memory_space<hbm>>
      %dma_start3A_11 = tpu.memref_squeeze %dma_start3A_10 : memref<1x125x80xi32, #tpu.memory_space<hbm>> -> memref<125x80xi32, #tpu.memory_space<hbm>>
      %dma_start3A_12 = arith.constant 0 : i32
      %dma_start3A_13 = arith.constant 0 : i32
      %dma_start3A_14 = tpu.memref_slice %arg2[%add3A, %dma_start3A_12, %dma_start3A_13] : memref<32x125x80xi32, #tpu.memory_space<hbm>> -> memref<1x125x80xi32, #tpu.memory_space<hbm>>
      %dma_start3A_15 = tpu.memref_squeeze %dma_start3A_14 : memref<1x125x80xi32, #tpu.memory_space<hbm>> -> memref<125x80xi32, #tpu.memory_space<hbm>>
      tpu.enqueue_dma source(%dma_start3A_15 : memref<125x80xi32, #tpu.memory_space<hbm>>) target(%arg6 : memref<125x80xi32, #tpu.memory_space<vmem>>) target_semaphore(%run_scoped3A : memref<!tpu.dma_semaphore, #tpu.memory_space<semaphore_mem>>)
      %dma_wait3A = arith.constant 0 : i32
      %dma_wait3A_16 = arith.constant 0 : i32
      %dma_wait3A_17 = tpu.memref_slice %arg2[%add3A, %dma_wait3A, %dma_wait3A_16] : memref<32x125x80xi32, #tpu.memory_space<hbm>> -> memref<1x125x80xi32, #tpu.memory_space<hbm>>
      %dma_wait3A_18 = tpu.memref_squeeze %dma_wait3A_17 : memref<1x125x80xi32, #tpu.memory_space<hbm>> -> memref<125x80xi32, #tpu.memory_space<hbm>>
      %dma_wait3A_19 = arith.constant 0 : i32
      %dma_wait3A_20 = arith.constant 0 : i32
      %dma_wait3A_21 = tpu.memref_slice %arg2[%add3A, %dma_wait3A_19, %dma_wait3A_20] : memref<32x125x80xi32, #tpu.memory_space<hbm>> -> memref<1x125x80xi32, #tpu.memory_space<hbm>>
      %dma_wait3A_22 = tpu.memref_squeeze %dma_wait3A_21 : memref<1x125x80xi32, #tpu.memory_space<hbm>> -> memref<125x80xi32, #tpu.memory_space<hbm>>
      tpu.wait_dma2 semaphore(%run_scoped3A : memref<!tpu.dma_semaphore, #tpu.memory_space<semaphore_mem>>) src(%dma_wait3A_22 : memref<125x80xi32, #tpu.memory_space<hbm>>) dst(%arg6 : memref<125x80xi32, #tpu.memory_space<vmem>>)
      tpu.yield
    }) : () -> ()
    "tpu.region"() ({
      %run_scoped3A = tpu.sem_alloc : memref<!tpu.dma_semaphore, #tpu.memory_space<semaphore_mem>>
      tpu.enqueue_dma source(%arg3 : memref<80x16xf32, #tpu.memory_space<hbm>>) target(%arg7 : memref<80x16xf32, #tpu.memory_space<vmem>>) target_semaphore(%run_scoped3A : memref<!tpu.dma_semaphore, #tpu.memory_space<semaphore_mem>>)
      tpu.wait_dma2 semaphore(%run_scoped3A : memref<!tpu.dma_semaphore, #tpu.memory_space<semaphore_mem>>) src(%arg3 : memref<80x16xf32, #tpu.memory_space<hbm>>) dst(%arg7 : memref<80x16xf32, #tpu.memory_space<vmem>>)
      tpu.yield
    }) : () -> ()
    %mul3A_1 = arith.constant 640 : i32
    %mul3A_2 = arith.muli %arg1, %mul3A_1 : i32
    "tpu.region"() ({
      %run_scoped3A = tpu.sem_alloc : memref<!tpu.dma_semaphore, #tpu.memory_space<semaphore_mem>>
      %dma_start3A = arith.constant 0 : i32
      %dma_start3A_9 = tpu.memref_slice %arg8[%mul3A_2, %dma_start3A] : memref<10240x16xf32, #tpu.memory_space<vmem_shared>> -> memref<640x16xf32, #tpu.memory_space<vmem_shared>>
      %dma_start3A_10 = arith.constant 0 : i32
      %dma_start3A_11 = tpu.memref_slice %arg4[%mul3A_2, %dma_start3A_10] : memref<10240x16xf32, #tpu.memory_space<hbm>> -> memref<640x16xf32, #tpu.memory_space<hbm>>
      tpu.enqueue_dma source(%dma_start3A_11 : memref<640x16xf32, #tpu.memory_space<hbm>>) target(%dma_start3A_9 : memref<640x16xf32, #tpu.memory_space<vmem_shared>>) target_semaphore(%run_scoped3A : memref<!tpu.dma_semaphore, #tpu.memory_space<semaphore_mem>>)
      %dma_wait3A = arith.constant 0 : i32
      %dma_wait3A_12 = tpu.memref_slice %arg8[%mul3A_2, %dma_wait3A] : memref<10240x16xf32, #tpu.memory_space<vmem_shared>> -> memref<640x16xf32, #tpu.memory_space<vmem_shared>>
      %dma_wait3A_13 = arith.constant 0 : i32
      %dma_wait3A_14 = tpu.memref_slice %arg4[%mul3A_2, %dma_wait3A_13] : memref<10240x16xf32, #tpu.memory_space<hbm>> -> memref<640x16xf32, #tpu.memory_space<hbm>>
      tpu.wait_dma2 semaphore(%run_scoped3A : memref<!tpu.dma_semaphore, #tpu.memory_space<semaphore_mem>>) src(%dma_wait3A_14 : memref<640x16xf32, #tpu.memory_space<hbm>>) dst(%dma_wait3A_12 : memref<640x16xf32, #tpu.memory_space<vmem_shared>>)
      tpu.yield
    }) : () -> ()
    %barrier3A = arith.constant 0 : index
    tpu.barrier barrier_id(%barrier3A)
    %scan3A = arith.constant 0 : i32
    %scan3A_3 = arith.constant 0 : i32
    %scan3A_4 = arith.constant 125 : i32
    %scan3A_5 = arith.addi %scan3A_3, %scan3A_4 : i32
    %scan3A_6 = arith.constant 1 : i32
    scf.for %scan3A_9 = %scan3A_3 to %scan3A_5 step %scan3A_6  : i32 {
      "tpu.region"() ({
        %run_scoped3A = tpu.sem_alloc : memref<!tpu.dma_semaphore, #tpu.memory_space<semaphore_mem>>
        %dma_start3A = arith.constant 0 : i32
        %dma_start3A_10 = tpu.memref_slice %arg6[%scan3A_9, %dma_start3A] : memref<125x80xi32, #tpu.memory_space<vmem>> -> memref<1x80xi32, #tpu.memory_space<vmem>>
        %dma_start3A_11 = tpu.memref_squeeze %dma_start3A_10 : memref<1x80xi32, #tpu.memory_space<vmem>> -> memref<80xi32, #tpu.memory_space<vmem>>
        %dma_start3A_12 = arith.constant 0 : i32
        %dma_start3A_13 = arith.constant 0 : i32
        %dma_start3A_14 = tpu.memref_slice %arg8[%dma_start3A_12, %dma_start3A_13] : memref<10240x16xf32, #tpu.memory_space<vmem_shared>> -> memref<10240x16xf32, #tpu.memory_space<vmem_shared>>
        tpu.enqueue_indirect_dma source(%arg7 : memref<80x16xf32, #tpu.memory_space<vmem>>) target(%dma_start3A_14 : memref<10240x16xf32, #tpu.memory_space<vmem_shared>>) offsets(%dma_start3A_11 : memref<80xi32, #tpu.memory_space<vmem>>) semaphore(%run_scoped3A : memref<!tpu.dma_semaphore, #tpu.memory_space<semaphore_mem>>) {add = true}
        %dma_wait3A = arith.constant 0 : i32
        %dma_wait3A_15 = tpu.memref_slice %arg6[%scan3A_9, %dma_wait3A] : memref<125x80xi32, #tpu.memory_space<vmem>> -> memref<1x80xi32, #tpu.memory_space<vmem>>
        %dma_wait3A_16 = tpu.memref_squeeze %dma_wait3A_15 : memref<1x80xi32, #tpu.memory_space<vmem>> -> memref<80xi32, #tpu.memory_space<vmem>>
        %dma_wait3A_17 = arith.constant 0 : i32
        %dma_wait3A_18 = arith.constant 0 : i32
        %dma_wait3A_19 = tpu.memref_slice %arg8[%dma_wait3A_17, %dma_wait3A_18] : memref<10240x16xf32, #tpu.memory_space<vmem_shared>> -> memref<10240x16xf32, #tpu.memory_space<vmem_shared>>
        tpu.wait_indirect_dma semaphore(%run_scoped3A : memref<!tpu.dma_semaphore, #tpu.memory_space<semaphore_mem>>) src(%arg7 : memref<80x16xf32, #tpu.memory_space<vmem>>) dst(%dma_wait3A_19 : memref<10240x16xf32, #tpu.memory_space<vmem_shared>>)
        tpu.yield
      }) : () -> ()
    }
    %scan3A_7 = arith.constant 125 : i32
    %barrier3A_8 = arith.constant 0 : index
    tpu.barrier barrier_id(%barrier3A_8)
    "tpu.region"() ({
      %run_scoped3A = tpu.sem_alloc : memref<!tpu.dma_semaphore, #tpu.memory_space<semaphore_mem>>
      %dma_start3A = arith.constant 0 : i32
      %dma_start3A_9 = tpu.memref_slice %arg5[%arg0, %mul3A_2, %dma_start3A] : memref<2x10240x16xf32, #tpu.memory_space<hbm>> -> memref<1x640x16xf32, #tpu.memory_space<hbm>>
      %dma_start3A_10 = tpu.memref_squeeze %dma_start3A_9 : memref<1x640x16xf32, #tpu.memory_space<hbm>> -> memref<640x16xf32, #tpu.memory_space<hbm>>
      %dma_start3A_11 = arith.constant 0 : i32
      %dma_start3A_12 = tpu.memref_slice %arg8[%mul3A_2, %dma_start3A_11] : memref<10240x16xf32, #tpu.memory_space<vmem_shared>> -> memref<640x16xf32, #tpu.memory_space<vmem_shared>>
      tpu.enqueue_dma source(%dma_start3A_12 : memref<640x16xf32, #tpu.memory_space<vmem_shared>>) target(%dma_start3A_10 : memref<640x16xf32, #tpu.memory_space<hbm>>) target_semaphore(%run_scoped3A : memref<!tpu.dma_semaphore, #tpu.memory_space<semaphore_mem>>)
      %dma_wait3A = arith.constant 0 : i32
      %dma_wait3A_13 = tpu.memref_slice %arg5[%arg0, %mul3A_2, %dma_wait3A] : memref<2x10240x16xf32, #tpu.memory_space<hbm>> -> memref<1x640x16xf32, #tpu.memory_space<hbm>>
      %dma_wait3A_14 = tpu.memref_squeeze %dma_wait3A_13 : memref<1x640x16xf32, #tpu.memory_space<hbm>> -> memref<640x16xf32, #tpu.memory_space<hbm>>
      %dma_wait3A_15 = arith.constant 0 : i32
      %dma_wait3A_16 = tpu.memref_slice %arg8[%mul3A_2, %dma_wait3A_15] : memref<10240x16xf32, #tpu.memory_space<vmem_shared>> -> memref<640x16xf32, #tpu.memory_space<vmem_shared>>
      tpu.wait_dma2 semaphore(%run_scoped3A : memref<!tpu.dma_semaphore, #tpu.memory_space<semaphore_mem>>) src(%dma_wait3A_16 : memref<640x16xf32, #tpu.memory_space<vmem_shared>>) dst(%dma_wait3A_14 : memref<640x16xf32, #tpu.memory_space<hbm>>)
      tpu.yield
    }) : () -> ()
    return
  }
}

#map = affine_map<(d0, d1) -> (0, 0)>
#map1 = affine_map<(d0, d1) -> (0, 0, 0)>
module attributes {stable_mosaic.version = 14 : i64} {
  func.func @_sc_edges_body(%arg0: i32, %arg1: i32, %arg2: memref<10240x64xf32, #tpu.memory_space<hbm>>, %arg3: memref<32x125x80xi32, #tpu.memory_space<hbm>>, %arg4: memref<32x125x80xi32, #tpu.memory_space<hbm>>, %arg5: memref<10240x64xf32, #tpu.memory_space<hbm>>, %arg6: memref<2x10240x64xf32, #tpu.memory_space<hbm>>, %arg7: memref<125x80xi32, #tpu.memory_space<vmem>>, %arg8: memref<125x80xi32, #tpu.memory_space<vmem>>, %arg9: memref<80x64xf32, #tpu.memory_space<vmem>>, %arg10: memref<80x64xf32, #tpu.memory_space<vmem>>, %arg11: memref<10240x64xf32, #tpu.memory_space<vmem_shared>>, %arg12: memref<!tpu.dma_semaphore, #tpu.memory_space<semaphore_mem>>, %arg13: memref<!tpu.dma_semaphore, #tpu.memory_space<semaphore_mem>>) attributes {dimension_semantics = [#tpu.dimension_semantics<core_parallel>, #tpu.dimension_semantics<subcore_parallel>], iteration_bounds = array<i64: 2, 16>, scalar_prefetch = 0 : i64, scratch_operands = 7 : i64, tpu.core_type = #tpu.core_type<sc_vector_subcore>, window_params = [{transform_indices = #map}, {transform_indices = #map1}, {transform_indices = #map1}, {transform_indices = #map}, {transform_indices = #map1}]} {
    %mul3A = arith.constant 2 : i32
    %mul3A_0 = arith.muli %arg1, %mul3A : i32
    %add3A = arith.addi %mul3A_0, %arg0 : i32
    "tpu.region"() ({
      %run_scoped3A_21 = tpu.sem_alloc : memref<!tpu.dma_semaphore, #tpu.memory_space<semaphore_mem>>
      %dma_start3A_22 = arith.constant 0 : i32
      %dma_start3A_23 = arith.constant 0 : i32
      %dma_start3A_24 = tpu.memref_slice %arg3[%add3A, %dma_start3A_22, %dma_start3A_23] : memref<32x125x80xi32, #tpu.memory_space<hbm>> -> memref<1x125x80xi32, #tpu.memory_space<hbm>>
      %dma_start3A_25 = tpu.memref_squeeze %dma_start3A_24 : memref<1x125x80xi32, #tpu.memory_space<hbm>> -> memref<125x80xi32, #tpu.memory_space<hbm>>
      %dma_start3A_26 = arith.constant 0 : i32
      %dma_start3A_27 = arith.constant 0 : i32
      %dma_start3A_28 = tpu.memref_slice %arg3[%add3A, %dma_start3A_26, %dma_start3A_27] : memref<32x125x80xi32, #tpu.memory_space<hbm>> -> memref<1x125x80xi32, #tpu.memory_space<hbm>>
      %dma_start3A_29 = tpu.memref_squeeze %dma_start3A_28 : memref<1x125x80xi32, #tpu.memory_space<hbm>> -> memref<125x80xi32, #tpu.memory_space<hbm>>
      tpu.enqueue_dma source(%dma_start3A_29 : memref<125x80xi32, #tpu.memory_space<hbm>>) target(%arg7 : memref<125x80xi32, #tpu.memory_space<vmem>>) target_semaphore(%run_scoped3A_21 : memref<!tpu.dma_semaphore, #tpu.memory_space<semaphore_mem>>)
      %dma_wait3A_30 = arith.constant 0 : i32
      %dma_wait3A_31 = arith.constant 0 : i32
      %dma_wait3A_32 = tpu.memref_slice %arg3[%add3A, %dma_wait3A_30, %dma_wait3A_31] : memref<32x125x80xi32, #tpu.memory_space<hbm>> -> memref<1x125x80xi32, #tpu.memory_space<hbm>>
      %dma_wait3A_33 = tpu.memref_squeeze %dma_wait3A_32 : memref<1x125x80xi32, #tpu.memory_space<hbm>> -> memref<125x80xi32, #tpu.memory_space<hbm>>
      %dma_wait3A_34 = arith.constant 0 : i32
      %dma_wait3A_35 = arith.constant 0 : i32
      %dma_wait3A_36 = tpu.memref_slice %arg3[%add3A, %dma_wait3A_34, %dma_wait3A_35] : memref<32x125x80xi32, #tpu.memory_space<hbm>> -> memref<1x125x80xi32, #tpu.memory_space<hbm>>
      %dma_wait3A_37 = tpu.memref_squeeze %dma_wait3A_36 : memref<1x125x80xi32, #tpu.memory_space<hbm>> -> memref<125x80xi32, #tpu.memory_space<hbm>>
      tpu.wait_dma2 semaphore(%run_scoped3A_21 : memref<!tpu.dma_semaphore, #tpu.memory_space<semaphore_mem>>) src(%dma_wait3A_37 : memref<125x80xi32, #tpu.memory_space<hbm>>) dst(%arg7 : memref<125x80xi32, #tpu.memory_space<vmem>>)
      tpu.yield
    }) : () -> ()
    "tpu.region"() ({
      %run_scoped3A_21 = tpu.sem_alloc : memref<!tpu.dma_semaphore, #tpu.memory_space<semaphore_mem>>
      %dma_start3A_22 = arith.constant 0 : i32
      %dma_start3A_23 = arith.constant 0 : i32
      %dma_start3A_24 = tpu.memref_slice %arg4[%add3A, %dma_start3A_22, %dma_start3A_23] : memref<32x125x80xi32, #tpu.memory_space<hbm>> -> memref<1x125x80xi32, #tpu.memory_space<hbm>>
      %dma_start3A_25 = tpu.memref_squeeze %dma_start3A_24 : memref<1x125x80xi32, #tpu.memory_space<hbm>> -> memref<125x80xi32, #tpu.memory_space<hbm>>
      %dma_start3A_26 = arith.constant 0 : i32
      %dma_start3A_27 = arith.constant 0 : i32
      %dma_start3A_28 = tpu.memref_slice %arg4[%add3A, %dma_start3A_26, %dma_start3A_27] : memref<32x125x80xi32, #tpu.memory_space<hbm>> -> memref<1x125x80xi32, #tpu.memory_space<hbm>>
      %dma_start3A_29 = tpu.memref_squeeze %dma_start3A_28 : memref<1x125x80xi32, #tpu.memory_space<hbm>> -> memref<125x80xi32, #tpu.memory_space<hbm>>
      tpu.enqueue_dma source(%dma_start3A_29 : memref<125x80xi32, #tpu.memory_space<hbm>>) target(%arg8 : memref<125x80xi32, #tpu.memory_space<vmem>>) target_semaphore(%run_scoped3A_21 : memref<!tpu.dma_semaphore, #tpu.memory_space<semaphore_mem>>)
      %dma_wait3A_30 = arith.constant 0 : i32
      %dma_wait3A_31 = arith.constant 0 : i32
      %dma_wait3A_32 = tpu.memref_slice %arg4[%add3A, %dma_wait3A_30, %dma_wait3A_31] : memref<32x125x80xi32, #tpu.memory_space<hbm>> -> memref<1x125x80xi32, #tpu.memory_space<hbm>>
      %dma_wait3A_33 = tpu.memref_squeeze %dma_wait3A_32 : memref<1x125x80xi32, #tpu.memory_space<hbm>> -> memref<125x80xi32, #tpu.memory_space<hbm>>
      %dma_wait3A_34 = arith.constant 0 : i32
      %dma_wait3A_35 = arith.constant 0 : i32
      %dma_wait3A_36 = tpu.memref_slice %arg4[%add3A, %dma_wait3A_34, %dma_wait3A_35] : memref<32x125x80xi32, #tpu.memory_space<hbm>> -> memref<1x125x80xi32, #tpu.memory_space<hbm>>
      %dma_wait3A_37 = tpu.memref_squeeze %dma_wait3A_36 : memref<1x125x80xi32, #tpu.memory_space<hbm>> -> memref<125x80xi32, #tpu.memory_space<hbm>>
      tpu.wait_dma2 semaphore(%run_scoped3A_21 : memref<!tpu.dma_semaphore, #tpu.memory_space<semaphore_mem>>) src(%dma_wait3A_37 : memref<125x80xi32, #tpu.memory_space<hbm>>) dst(%arg8 : memref<125x80xi32, #tpu.memory_space<vmem>>)
      tpu.yield
    }) : () -> ()
    %mul3A_1 = arith.constant 640 : i32
    %mul3A_2 = arith.muli %arg1, %mul3A_1 : i32
    "tpu.region"() ({
      %run_scoped3A_21 = tpu.sem_alloc : memref<!tpu.dma_semaphore, #tpu.memory_space<semaphore_mem>>
      %dma_start3A_22 = arith.constant 0 : i32
      %dma_start3A_23 = tpu.memref_slice %arg11[%mul3A_2, %dma_start3A_22] : memref<10240x64xf32, #tpu.memory_space<vmem_shared>> -> memref<640x64xf32, #tpu.memory_space<vmem_shared>>
      %dma_start3A_24 = arith.constant 0 : i32
      %dma_start3A_25 = tpu.memref_slice %arg5[%mul3A_2, %dma_start3A_24] : memref<10240x64xf32, #tpu.memory_space<hbm>> -> memref<640x64xf32, #tpu.memory_space<hbm>>
      tpu.enqueue_dma source(%dma_start3A_25 : memref<640x64xf32, #tpu.memory_space<hbm>>) target(%dma_start3A_23 : memref<640x64xf32, #tpu.memory_space<vmem_shared>>) target_semaphore(%run_scoped3A_21 : memref<!tpu.dma_semaphore, #tpu.memory_space<semaphore_mem>>)
      %dma_wait3A_26 = arith.constant 0 : i32
      %dma_wait3A_27 = tpu.memref_slice %arg11[%mul3A_2, %dma_wait3A_26] : memref<10240x64xf32, #tpu.memory_space<vmem_shared>> -> memref<640x64xf32, #tpu.memory_space<vmem_shared>>
      %dma_wait3A_28 = arith.constant 0 : i32
      %dma_wait3A_29 = tpu.memref_slice %arg5[%mul3A_2, %dma_wait3A_28] : memref<10240x64xf32, #tpu.memory_space<hbm>> -> memref<640x64xf32, #tpu.memory_space<hbm>>
      tpu.wait_dma2 semaphore(%run_scoped3A_21 : memref<!tpu.dma_semaphore, #tpu.memory_space<semaphore_mem>>) src(%dma_wait3A_29 : memref<640x64xf32, #tpu.memory_space<hbm>>) dst(%dma_wait3A_27 : memref<640x64xf32, #tpu.memory_space<vmem_shared>>)
      tpu.yield
    }) : () -> ()
    %barrier3A = arith.constant 0 : index
    tpu.barrier barrier_id(%barrier3A)
    %dma_start3A = arith.constant 0 : i32
    %dma_start3A_3 = arith.constant 0 : i32
    %dma_start3A_4 = tpu.memref_slice %arg7[%dma_start3A, %dma_start3A_3] : memref<125x80xi32, #tpu.memory_space<vmem>> -> memref<1x80xi32, #tpu.memory_space<vmem>>
    %dma_start3A_5 = tpu.memref_squeeze %dma_start3A_4 : memref<1x80xi32, #tpu.memory_space<vmem>> -> memref<80xi32, #tpu.memory_space<vmem>>
    %dma_start3A_6 = arith.constant 0 : i32
    %dma_start3A_7 = arith.constant 0 : i32
    %dma_start3A_8 = tpu.memref_slice %arg2[%dma_start3A_6, %dma_start3A_7] : memref<10240x64xf32, #tpu.memory_space<hbm>> -> memref<10240x64xf32, #tpu.memory_space<hbm>>
    tpu.enqueue_indirect_dma source(%dma_start3A_8 : memref<10240x64xf32, #tpu.memory_space<hbm>>) target(%arg9 : memref<80x64xf32, #tpu.memory_space<vmem>>) offsets(%dma_start3A_5 : memref<80xi32, #tpu.memory_space<vmem>>) semaphore(%arg12 : memref<!tpu.dma_semaphore, #tpu.memory_space<semaphore_mem>>)
    %scan3A = arith.constant 0 : i32
    %scan3A_9 = arith.constant 0 : i32
    %scan3A_10 = arith.constant 62 : i32
    %scan3A_11 = arith.addi %scan3A_9, %scan3A_10 : i32
    %scan3A_12 = arith.constant 1 : i32
    scf.for %scan3A_21 = %scan3A_9 to %scan3A_11 step %scan3A_12  : i32 {
      %mul3A_22 = arith.constant 2 : i32
      %mul3A_23 = arith.muli %mul3A_22, %scan3A_21 : i32
      %add3A_24 = arith.constant 1 : i32
      %add3A_25 = arith.addi %mul3A_23, %add3A_24 : i32
      %dma_start3A_26 = arith.constant 0 : i32
      %dma_start3A_27 = tpu.memref_slice %arg7[%add3A_25, %dma_start3A_26] : memref<125x80xi32, #tpu.memory_space<vmem>> -> memref<1x80xi32, #tpu.memory_space<vmem>>
      %dma_start3A_28 = tpu.memref_squeeze %dma_start3A_27 : memref<1x80xi32, #tpu.memory_space<vmem>> -> memref<80xi32, #tpu.memory_space<vmem>>
      %dma_start3A_29 = arith.constant 0 : i32
      %dma_start3A_30 = arith.constant 0 : i32
      %dma_start3A_31 = tpu.memref_slice %arg2[%dma_start3A_29, %dma_start3A_30] : memref<10240x64xf32, #tpu.memory_space<hbm>> -> memref<10240x64xf32, #tpu.memory_space<hbm>>
      tpu.enqueue_indirect_dma source(%dma_start3A_31 : memref<10240x64xf32, #tpu.memory_space<hbm>>) target(%arg10 : memref<80x64xf32, #tpu.memory_space<vmem>>) offsets(%dma_start3A_28 : memref<80xi32, #tpu.memory_space<vmem>>) semaphore(%arg13 : memref<!tpu.dma_semaphore, #tpu.memory_space<semaphore_mem>>)
      %dma_wait3A_32 = arith.constant 0 : i32
      %dma_wait3A_33 = arith.constant 0 : i32
      %dma_wait3A_34 = tpu.memref_slice %arg7[%dma_wait3A_32, %dma_wait3A_33] : memref<125x80xi32, #tpu.memory_space<vmem>> -> memref<1x80xi32, #tpu.memory_space<vmem>>
      %dma_wait3A_35 = tpu.memref_squeeze %dma_wait3A_34 : memref<1x80xi32, #tpu.memory_space<vmem>> -> memref<80xi32, #tpu.memory_space<vmem>>
      %dma_wait3A_36 = arith.constant 0 : i32
      %dma_wait3A_37 = arith.constant 0 : i32
      %dma_wait3A_38 = tpu.memref_slice %arg2[%dma_wait3A_36, %dma_wait3A_37] : memref<10240x64xf32, #tpu.memory_space<hbm>> -> memref<10240x64xf32, #tpu.memory_space<hbm>>
      tpu.wait_indirect_dma semaphore(%arg12 : memref<!tpu.dma_semaphore, #tpu.memory_space<semaphore_mem>>) src(%dma_wait3A_38 : memref<10240x64xf32, #tpu.memory_space<hbm>>) dst(%arg9 : memref<80x64xf32, #tpu.memory_space<vmem>>)
      "tpu.region"() ({
        %run_scoped3A_56 = tpu.sem_alloc : memref<!tpu.dma_semaphore, #tpu.memory_space<semaphore_mem>>
        %dma_start3A_57 = arith.constant 0 : i32
        %dma_start3A_58 = tpu.memref_slice %arg8[%mul3A_23, %dma_start3A_57] : memref<125x80xi32, #tpu.memory_space<vmem>> -> memref<1x80xi32, #tpu.memory_space<vmem>>
        %dma_start3A_59 = tpu.memref_squeeze %dma_start3A_58 : memref<1x80xi32, #tpu.memory_space<vmem>> -> memref<80xi32, #tpu.memory_space<vmem>>
        %dma_start3A_60 = arith.constant 0 : i32
        %dma_start3A_61 = arith.constant 0 : i32
        %dma_start3A_62 = tpu.memref_slice %arg11[%dma_start3A_60, %dma_start3A_61] : memref<10240x64xf32, #tpu.memory_space<vmem_shared>> -> memref<10240x64xf32, #tpu.memory_space<vmem_shared>>
        tpu.enqueue_indirect_dma source(%arg9 : memref<80x64xf32, #tpu.memory_space<vmem>>) target(%dma_start3A_62 : memref<10240x64xf32, #tpu.memory_space<vmem_shared>>) offsets(%dma_start3A_59 : memref<80xi32, #tpu.memory_space<vmem>>) semaphore(%run_scoped3A_56 : memref<!tpu.dma_semaphore, #tpu.memory_space<semaphore_mem>>) {add = true}
        %dma_wait3A_63 = arith.constant 0 : i32
        %dma_wait3A_64 = tpu.memref_slice %arg8[%mul3A_23, %dma_wait3A_63] : memref<125x80xi32, #tpu.memory_space<vmem>> -> memref<1x80xi32, #tpu.memory_space<vmem>>
        %dma_wait3A_65 = tpu.memref_squeeze %dma_wait3A_64 : memref<1x80xi32, #tpu.memory_space<vmem>> -> memref<80xi32, #tpu.memory_space<vmem>>
        %dma_wait3A_66 = arith.constant 0 : i32
        %dma_wait3A_67 = arith.constant 0 : i32
        %dma_wait3A_68 = tpu.memref_slice %arg11[%dma_wait3A_66, %dma_wait3A_67] : memref<10240x64xf32, #tpu.memory_space<vmem_shared>> -> memref<10240x64xf32, #tpu.memory_space<vmem_shared>>
        tpu.wait_indirect_dma semaphore(%run_scoped3A_56 : memref<!tpu.dma_semaphore, #tpu.memory_space<semaphore_mem>>) src(%arg9 : memref<80x64xf32, #tpu.memory_space<vmem>>) dst(%dma_wait3A_68 : memref<10240x64xf32, #tpu.memory_space<vmem_shared>>)
        tpu.yield
      }) : () -> ()
      %add3A_39 = arith.constant 2 : i32
      %add3A_40 = arith.addi %mul3A_23, %add3A_39 : i32
      %dma_start3A_41 = arith.constant 0 : i32
      %dma_start3A_42 = tpu.memref_slice %arg7[%add3A_40, %dma_start3A_41] : memref<125x80xi32, #tpu.memory_space<vmem>> -> memref<1x80xi32, #tpu.memory_space<vmem>>
      %dma_start3A_43 = tpu.memref_squeeze %dma_start3A_42 : memref<1x80xi32, #tpu.memory_space<vmem>> -> memref<80xi32, #tpu.memory_space<vmem>>
      %dma_start3A_44 = arith.constant 0 : i32
      %dma_start3A_45 = arith.constant 0 : i32
      %dma_start3A_46 = tpu.memref_slice %arg2[%dma_start3A_44, %dma_start3A_45] : memref<10240x64xf32, #tpu.memory_space<hbm>> -> memref<10240x64xf32, #tpu.memory_space<hbm>>
      tpu.enqueue_indirect_dma source(%dma_start3A_46 : memref<10240x64xf32, #tpu.memory_space<hbm>>) target(%arg9 : memref<80x64xf32, #tpu.memory_space<vmem>>) offsets(%dma_start3A_43 : memref<80xi32, #tpu.memory_space<vmem>>) semaphore(%arg12 : memref<!tpu.dma_semaphore, #tpu.memory_space<semaphore_mem>>)
      %dma_wait3A_47 = arith.constant 0 : i32
      %dma_wait3A_48 = arith.constant 0 : i32
      %dma_wait3A_49 = tpu.memref_slice %arg7[%dma_wait3A_47, %dma_wait3A_48] : memref<125x80xi32, #tpu.memory_space<vmem>> -> memref<1x80xi32, #tpu.memory_space<vmem>>
      %dma_wait3A_50 = tpu.memref_squeeze %dma_wait3A_49 : memref<1x80xi32, #tpu.memory_space<vmem>> -> memref<80xi32, #tpu.memory_space<vmem>>
      %dma_wait3A_51 = arith.constant 0 : i32
      %dma_wait3A_52 = arith.constant 0 : i32
      %dma_wait3A_53 = tpu.memref_slice %arg2[%dma_wait3A_51, %dma_wait3A_52] : memref<10240x64xf32, #tpu.memory_space<hbm>> -> memref<10240x64xf32, #tpu.memory_space<hbm>>
      tpu.wait_indirect_dma semaphore(%arg13 : memref<!tpu.dma_semaphore, #tpu.memory_space<semaphore_mem>>) src(%dma_wait3A_53 : memref<10240x64xf32, #tpu.memory_space<hbm>>) dst(%arg10 : memref<80x64xf32, #tpu.memory_space<vmem>>)
      %add3A_54 = arith.constant 1 : i32
      %add3A_55 = arith.addi %mul3A_23, %add3A_54 : i32
      "tpu.region"() ({
        %run_scoped3A_56 = tpu.sem_alloc : memref<!tpu.dma_semaphore, #tpu.memory_space<semaphore_mem>>
        %dma_start3A_57 = arith.constant 0 : i32
        %dma_start3A_58 = tpu.memref_slice %arg8[%add3A_55, %dma_start3A_57] : memref<125x80xi32, #tpu.memory_space<vmem>> -> memref<1x80xi32, #tpu.memory_space<vmem>>
        %dma_start3A_59 = tpu.memref_squeeze %dma_start3A_58 : memref<1x80xi32, #tpu.memory_space<vmem>> -> memref<80xi32, #tpu.memory_space<vmem>>
        %dma_start3A_60 = arith.constant 0 : i32
        %dma_start3A_61 = arith.constant 0 : i32
        %dma_start3A_62 = tpu.memref_slice %arg11[%dma_start3A_60, %dma_start3A_61] : memref<10240x64xf32, #tpu.memory_space<vmem_shared>> -> memref<10240x64xf32, #tpu.memory_space<vmem_shared>>
        tpu.enqueue_indirect_dma source(%arg10 : memref<80x64xf32, #tpu.memory_space<vmem>>) target(%dma_start3A_62 : memref<10240x64xf32, #tpu.memory_space<vmem_shared>>) offsets(%dma_start3A_59 : memref<80xi32, #tpu.memory_space<vmem>>) semaphore(%run_scoped3A_56 : memref<!tpu.dma_semaphore, #tpu.memory_space<semaphore_mem>>) {add = true}
        %dma_wait3A_63 = arith.constant 0 : i32
        %dma_wait3A_64 = tpu.memref_slice %arg8[%add3A_55, %dma_wait3A_63] : memref<125x80xi32, #tpu.memory_space<vmem>> -> memref<1x80xi32, #tpu.memory_space<vmem>>
        %dma_wait3A_65 = tpu.memref_squeeze %dma_wait3A_64 : memref<1x80xi32, #tpu.memory_space<vmem>> -> memref<80xi32, #tpu.memory_space<vmem>>
        %dma_wait3A_66 = arith.constant 0 : i32
        %dma_wait3A_67 = arith.constant 0 : i32
        %dma_wait3A_68 = tpu.memref_slice %arg11[%dma_wait3A_66, %dma_wait3A_67] : memref<10240x64xf32, #tpu.memory_space<vmem_shared>> -> memref<10240x64xf32, #tpu.memory_space<vmem_shared>>
        tpu.wait_indirect_dma semaphore(%run_scoped3A_56 : memref<!tpu.dma_semaphore, #tpu.memory_space<semaphore_mem>>) src(%arg10 : memref<80x64xf32, #tpu.memory_space<vmem>>) dst(%dma_wait3A_68 : memref<10240x64xf32, #tpu.memory_space<vmem_shared>>)
        tpu.yield
      }) : () -> ()
    }
    %scan3A_13 = arith.constant 62 : i32
    %dma_wait3A = arith.constant 0 : i32
    %dma_wait3A_14 = arith.constant 0 : i32
    %dma_wait3A_15 = tpu.memref_slice %arg7[%dma_wait3A, %dma_wait3A_14] : memref<125x80xi32, #tpu.memory_space<vmem>> -> memref<1x80xi32, #tpu.memory_space<vmem>>
    %dma_wait3A_16 = tpu.memref_squeeze %dma_wait3A_15 : memref<1x80xi32, #tpu.memory_space<vmem>> -> memref<80xi32, #tpu.memory_space<vmem>>
    %dma_wait3A_17 = arith.constant 0 : i32
    %dma_wait3A_18 = arith.constant 0 : i32
    %dma_wait3A_19 = tpu.memref_slice %arg2[%dma_wait3A_17, %dma_wait3A_18] : memref<10240x64xf32, #tpu.memory_space<hbm>> -> memref<10240x64xf32, #tpu.memory_space<hbm>>
    tpu.wait_indirect_dma semaphore(%arg12 : memref<!tpu.dma_semaphore, #tpu.memory_space<semaphore_mem>>) src(%dma_wait3A_19 : memref<10240x64xf32, #tpu.memory_space<hbm>>) dst(%arg9 : memref<80x64xf32, #tpu.memory_space<vmem>>)
    %run_scoped3A = arith.constant 124 : i32
    "tpu.region"() ({
      %run_scoped3A_21 = tpu.sem_alloc : memref<!tpu.dma_semaphore, #tpu.memory_space<semaphore_mem>>
      %dma_start3A_22 = arith.constant 0 : i32
      %dma_start3A_23 = tpu.memref_slice %arg8[%run_scoped3A, %dma_start3A_22] : memref<125x80xi32, #tpu.memory_space<vmem>> -> memref<1x80xi32, #tpu.memory_space<vmem>>
      %dma_start3A_24 = tpu.memref_squeeze %dma_start3A_23 : memref<1x80xi32, #tpu.memory_space<vmem>> -> memref<80xi32, #tpu.memory_space<vmem>>
      %dma_start3A_25 = arith.constant 0 : i32
      %dma_start3A_26 = arith.constant 0 : i32
      %dma_start3A_27 = tpu.memref_slice %arg11[%dma_start3A_25, %dma_start3A_26] : memref<10240x64xf32, #tpu.memory_space<vmem_shared>> -> memref<10240x64xf32, #tpu.memory_space<vmem_shared>>
      tpu.enqueue_indirect_dma source(%arg9 : memref<80x64xf32, #tpu.memory_space<vmem>>) target(%dma_start3A_27 : memref<10240x64xf32, #tpu.memory_space<vmem_shared>>) offsets(%dma_start3A_24 : memref<80xi32, #tpu.memory_space<vmem>>) semaphore(%run_scoped3A_21 : memref<!tpu.dma_semaphore, #tpu.memory_space<semaphore_mem>>) {add = true}
      %dma_wait3A_28 = arith.constant 0 : i32
      %dma_wait3A_29 = tpu.memref_slice %arg8[%run_scoped3A, %dma_wait3A_28] : memref<125x80xi32, #tpu.memory_space<vmem>> -> memref<1x80xi32, #tpu.memory_space<vmem>>
      %dma_wait3A_30 = tpu.memref_squeeze %dma_wait3A_29 : memref<1x80xi32, #tpu.memory_space<vmem>> -> memref<80xi32, #tpu.memory_space<vmem>>
      %dma_wait3A_31 = arith.constant 0 : i32
      %dma_wait3A_32 = arith.constant 0 : i32
      %dma_wait3A_33 = tpu.memref_slice %arg11[%dma_wait3A_31, %dma_wait3A_32] : memref<10240x64xf32, #tpu.memory_space<vmem_shared>> -> memref<10240x64xf32, #tpu.memory_space<vmem_shared>>
      tpu.wait_indirect_dma semaphore(%run_scoped3A_21 : memref<!tpu.dma_semaphore, #tpu.memory_space<semaphore_mem>>) src(%arg9 : memref<80x64xf32, #tpu.memory_space<vmem>>) dst(%dma_wait3A_33 : memref<10240x64xf32, #tpu.memory_space<vmem_shared>>)
      tpu.yield
    }) : () -> ()
    %barrier3A_20 = arith.constant 0 : index
    tpu.barrier barrier_id(%barrier3A_20)
    "tpu.region"() ({
      %run_scoped3A_21 = tpu.sem_alloc : memref<!tpu.dma_semaphore, #tpu.memory_space<semaphore_mem>>
      %dma_start3A_22 = arith.constant 0 : i32
      %dma_start3A_23 = tpu.memref_slice %arg6[%arg0, %mul3A_2, %dma_start3A_22] : memref<2x10240x64xf32, #tpu.memory_space<hbm>> -> memref<1x640x64xf32, #tpu.memory_space<hbm>>
      %dma_start3A_24 = tpu.memref_squeeze %dma_start3A_23 : memref<1x640x64xf32, #tpu.memory_space<hbm>> -> memref<640x64xf32, #tpu.memory_space<hbm>>
      %dma_start3A_25 = arith.constant 0 : i32
      %dma_start3A_26 = tpu.memref_slice %arg11[%mul3A_2, %dma_start3A_25] : memref<10240x64xf32, #tpu.memory_space<vmem_shared>> -> memref<640x64xf32, #tpu.memory_space<vmem_shared>>
      tpu.enqueue_dma source(%dma_start3A_26 : memref<640x64xf32, #tpu.memory_space<vmem_shared>>) target(%dma_start3A_24 : memref<640x64xf32, #tpu.memory_space<hbm>>) target_semaphore(%run_scoped3A_21 : memref<!tpu.dma_semaphore, #tpu.memory_space<semaphore_mem>>)
      %dma_wait3A_27 = arith.constant 0 : i32
      %dma_wait3A_28 = tpu.memref_slice %arg6[%arg0, %mul3A_2, %dma_wait3A_27] : memref<2x10240x64xf32, #tpu.memory_space<hbm>> -> memref<1x640x64xf32, #tpu.memory_space<hbm>>
      %dma_wait3A_29 = tpu.memref_squeeze %dma_wait3A_28 : memref<1x640x64xf32, #tpu.memory_space<hbm>> -> memref<640x64xf32, #tpu.memory_space<hbm>>
      %dma_wait3A_30 = arith.constant 0 : i32
      %dma_wait3A_31 = tpu.memref_slice %arg11[%mul3A_2, %dma_wait3A_30] : memref<10240x64xf32, #tpu.memory_space<vmem_shared>> -> memref<640x64xf32, #tpu.memory_space<vmem_shared>>
      tpu.wait_dma2 semaphore(%run_scoped3A_21 : memref<!tpu.dma_semaphore, #tpu.memory_space<semaphore_mem>>) src(%dma_wait3A_31 : memref<640x64xf32, #tpu.memory_space<vmem_shared>>) dst(%dma_wait3A_29 : memref<640x64xf32, #tpu.memory_space<hbm>>)
      tpu.yield
    }) : () -> ()
    return
  }
}

module attributes {stable_mosaic.version = 14 : i64} {
  func.func @_tc_h2_body(%arg0: memref<10000x128xf32, #tpu.memory_space<vmem>>, %arg1: memref<128x64xf32, #tpu.memory_space<vmem>>, %arg2: memref<2x10240x16xf32, #tpu.memory_space<vmem>>, %arg3: memref<10240x64xf32, #tpu.memory_space<vmem>>, %arg4: memref<10240x1xf32, #tpu.memory_space<vmem>>) attributes {dimension_semantics = [], scalar_prefetch = 0 : i64, scratch_operands = 0 : i64, tpu.core_type = #tpu.core_type<tc>} {
    %get3A = arith.constant 0 : index
    %get3A_0 = arith.constant 0 : index
    %get3A_1 = arith.constant 0 : index
    %get3A_2 = vector.load %arg2[%get3A, %get3A_0, %get3A_1] : memref<2x10240x16xf32, #tpu.memory_space<vmem>>, vector<1x10240x16xf32>
    %get3A_3 = vector.shape_cast %get3A_2 : vector<1x10240x16xf32> to vector<10240x16xf32>
    %slice3A = vector.extract_strided_slice %get3A_3 {offsets = [0, 0], sizes = [10240, 1], strides = [1, 1]} : vector<10240x16xf32> to vector<10240x1xf32>
    %get3A_4 = arith.constant 1 : index
    %get3A_5 = arith.constant 0 : index
    %get3A_6 = arith.constant 0 : index
    %get3A_7 = vector.load %arg2[%get3A_4, %get3A_5, %get3A_6] : memref<2x10240x16xf32, #tpu.memory_space<vmem>>, vector<1x10240x16xf32>
    %get3A_8 = vector.shape_cast %get3A_7 : vector<1x10240x16xf32> to vector<10240x16xf32>
    %slice3A_9 = vector.extract_strided_slice %get3A_8 {offsets = [0, 0], sizes = [10240, 1], strides = [1, 1]} : vector<10240x16xf32> to vector<10240x1xf32>
    %add3A = arith.addf %slice3A, %slice3A_9 : vector<10240x1xf32>
    %add3A_10 = arith.constant 1.000000e+00 : f32
    %add3A_11 = vector.broadcast %add3A_10 : f32 to vector<10240x1xf32>
    %add3A_12 = arith.addf %add3A, %add3A_11 : vector<10240x1xf32>
    %rsqrt3A = math.rsqrt %add3A_12 : vector<10240x1xf32>
    %get3A_13 = arith.constant 0 : index
    %get3A_14 = arith.constant 0 : index
    %get3A_15 = vector.load %arg0[%get3A_13, %get3A_14] : memref<10000x128xf32, #tpu.memory_space<vmem>>, vector<10000x128xf32>
    %get3A_16 = arith.constant 0 : index
    %get3A_17 = arith.constant 0 : index
    %get3A_18 = vector.load %arg1[%get3A_16, %get3A_17] : memref<128x64xf32, #tpu.memory_space<vmem>>, vector<128x64xf32>
    %dot_general3A = arith.constant dense<0.000000e+00> : vector<10000x64xf32>
    %dot_general3A_19 = tpu.matmul %get3A_15, %get3A_18, %dot_general3A {dimension_numbers = #tpu.dot_dimension_numbers<[1], [0], [0], [1], [0, 0, 1, 1], [], []>, transpose_lhs_hint = false} : vector<10000x128xf32>, vector<128x64xf32>, vector<10000x64xf32> -> vector<10000x64xf32>
    %slice3A_20 = vector.extract_strided_slice %rsqrt3A {offsets = [0, 0], sizes = [10000, 1], strides = [1, 1]} : vector<10240x1xf32> to vector<10000x1xf32>
    %mul3A = vector.broadcast %slice3A_20 : vector<10000x1xf32> to vector<10000x64xf32>
    %mul3A_21 = arith.mulf %dot_general3A_19, %mul3A : vector<10000x64xf32>
    %swap3A = arith.constant 0 : index
    %swap3A_22 = arith.constant 0 : index
    %swap3A_23 = vector.load %arg3[%swap3A, %swap3A_22] : memref<10240x64xf32, #tpu.memory_space<vmem>>, vector<10000x64xf32>
    tpu.vector_store %arg3[%swap3A, %swap3A_22], %mul3A_21 {strides = array<i32>} : memref<10240x64xf32, #tpu.memory_space<vmem>>, vector<10000x64xf32>,
    %broadcast_in_dim3A = arith.constant 0.000000e+00 : f32
    %broadcast_in_dim3A_24 = vector.broadcast %broadcast_in_dim3A : f32 to vector<240x64xf32>
    %swap3A_25 = arith.constant 10000 : index
    %swap3A_26 = arith.constant 0 : index
    %swap3A_27 = vector.load %arg3[%swap3A_25, %swap3A_26] : memref<10240x64xf32, #tpu.memory_space<vmem>>, vector<240x64xf32>
    tpu.vector_store %arg3[%swap3A_25, %swap3A_26], %broadcast_in_dim3A_24 {strides = array<i32>} : memref<10240x64xf32, #tpu.memory_space<vmem>>, vector<240x64xf32>,
    %swap3A_28 = arith.constant 0 : index
    %swap3A_29 = arith.constant 0 : index
    %swap3A_30 = vector.load %arg4[%swap3A_28, %swap3A_29] : memref<10240x1xf32, #tpu.memory_space<vmem>>, vector<10240x1xf32>
    tpu.vector_store %arg4[%swap3A_28, %swap3A_29], %rsqrt3A {strides = array<i32>} : memref<10240x1xf32, #tpu.memory_space<vmem>>, vector<10240x1xf32>,
    return
  }
}

module attributes {stable_mosaic.version = 14 : i64} {
  func.func @_tc_out_body(%arg0: memref<2x10240x64xf32, #tpu.memory_space<vmem>>, %arg1: memref<10240x64xf32, #tpu.memory_space<vmem>>, %arg2: memref<10240x1xf32, #tpu.memory_space<vmem>>, %arg3: memref<1x64xf32, #tpu.memory_space<vmem>>, %arg4: memref<64x7xf32, #tpu.memory_space<vmem>>, %arg5: memref<1x7xf32, #tpu.memory_space<vmem>>, %arg6: memref<10240x7xf32, #tpu.memory_space<vmem>>) attributes {dimension_semantics = [], scalar_prefetch = 0 : i64, scratch_operands = 0 : i64, tpu.core_type = #tpu.core_type<tc>} {
    %get3A = arith.constant 0 : index
    %get3A_0 = arith.constant 0 : index
    %get3A_1 = arith.constant 0 : index
    %get3A_2 = vector.load %arg0[%get3A, %get3A_0, %get3A_1] : memref<2x10240x64xf32, #tpu.memory_space<vmem>>, vector<1x10240x64xf32>
    %get3A_3 = vector.shape_cast %get3A_2 : vector<1x10240x64xf32> to vector<10240x64xf32>
    %get3A_4 = arith.constant 1 : index
    %get3A_5 = arith.constant 0 : index
    %get3A_6 = arith.constant 0 : index
    %get3A_7 = vector.load %arg0[%get3A_4, %get3A_5, %get3A_6] : memref<2x10240x64xf32, #tpu.memory_space<vmem>>, vector<1x10240x64xf32>
    %get3A_8 = vector.shape_cast %get3A_7 : vector<1x10240x64xf32> to vector<10240x64xf32>
    %add3A = arith.addf %get3A_3, %get3A_8 : vector<10240x64xf32>
    %get3A_9 = arith.constant 0 : index
    %get3A_10 = arith.constant 0 : index
    %get3A_11 = vector.load %arg1[%get3A_9, %get3A_10] : memref<10240x64xf32, #tpu.memory_space<vmem>>, vector<10240x64xf32>
    %add3A_12 = arith.addf %add3A, %get3A_11 : vector<10240x64xf32>
    %get3A_13 = arith.constant 0 : index
    %get3A_14 = arith.constant 0 : index
    %get3A_15 = vector.load %arg2[%get3A_13, %get3A_14] : memref<10240x1xf32, #tpu.memory_space<vmem>>, vector<10240x1xf32>
    %mul3A = vector.broadcast %get3A_15 : vector<10240x1xf32> to vector<10240x64xf32>
    %mul3A_16 = arith.mulf %add3A_12, %mul3A : vector<10240x64xf32>
    %get3A_17 = arith.constant 0 : index
    %get3A_18 = arith.constant 0 : index
    %get3A_19 = vector.load %arg3[%get3A_17, %get3A_18] : memref<1x64xf32, #tpu.memory_space<vmem>>, vector<1x64xf32>
    %add3A_20 = vector.broadcast %get3A_19 : vector<1x64xf32> to vector<10240x64xf32>
    %add3A_21 = arith.addf %mul3A_16, %add3A_20 : vector<10240x64xf32>
    %max3A = arith.constant 0.000000e+00 : f32
    %max3A_22 = vector.broadcast %max3A : f32 to vector<10240x64xf32>
    %max3A_23 = arith.maximumf %add3A_21, %max3A_22 : vector<10240x64xf32>
    %get3A_24 = arith.constant 0 : index
    %get3A_25 = arith.constant 0 : index
    %get3A_26 = vector.load %arg4[%get3A_24, %get3A_25] : memref<64x7xf32, #tpu.memory_space<vmem>>, vector<64x7xf32>
    %dot_general3A = arith.constant dense<0.000000e+00> : vector<10240x7xf32>
    %dot_general3A_27 = tpu.matmul %max3A_23, %get3A_26, %dot_general3A {dimension_numbers = #tpu.dot_dimension_numbers<[1], [0], [0], [1], [0, 0, 1, 1], [], []>, transpose_lhs_hint = false} : vector<10240x64xf32>, vector<64x7xf32>, vector<10240x7xf32> -> vector<10240x7xf32>
    %get3A_28 = arith.constant 0 : index
    %get3A_29 = arith.constant 0 : index
    %get3A_30 = vector.load %arg5[%get3A_28, %get3A_29] : memref<1x7xf32, #tpu.memory_space<vmem>>, vector<1x7xf32>
    %add3A_31 = vector.broadcast %get3A_30 : vector<1x7xf32> to vector<10240x7xf32>
    %add3A_32 = arith.addf %dot_general3A_27, %add3A_31 : vector<10240x7xf32>
    %swap3A = arith.constant 0 : index
    %swap3A_33 = arith.constant 0 : index
    %swap3A_34 = vector.load %arg6[%swap3A, %swap3A_33] : memref<10240x7xf32, #tpu.memory_space<vmem>>, vector<10240x7xf32>
    tpu.vector_store %arg6[%swap3A, %swap3A_33], %add3A_32 {strides = array<i32>} : memref<10240x7xf32, #tpu.memory_space<vmem>>, vector<10240x7xf32>,
    return
  }
}

</mosaic_0001>

<sc_bundles>
// kernel: kernel.6.cloned.1.call-start
scs
__scs_entry_jumppad:
0x0: {  	(pc) =	sbr.rel $0x88, $3  }
0x1: {  	(tag) =	ssettag $0x0;
	lr =	simm.s32 $0x1  }
0x2: {  	[smem:$0x3F9B] =	sst lr;
	_ =	strace $0xD0000000  }
0x3: {  	_ = 	snop  }
0x4: {  	_ = 	snop  }
0x5: {  	_ = 	snop  }
0x6: {  	_ = 	snop  }
0x7: {  	_ = 	snop  }
__scs_overlays_trampoline_lowered:
0x8: {  	[smem:$0x3FAA] =	sst s0  }
0x9: {  	[smem:$0x3FAB] =	sst s1  }
0xa: {  	[smem:$0x3FAC] =	sst s2  }
0xb: {  	[smem:$0x3FAD] =	sst s3  }
0xc: {  	[smem:$0x3FAE] =	sst s4  }
0xd: {  	[smem:$0x3FAF] =	sst s5  }
0xe: {  	[smem:$0x3FB0] =	sst s6  }
0xf: {  	[smem:$0x3FB1] =	sst s7  }
0x10: {  	[smem:$0x3FB2] =	sst s8  }
0x11: {  	[smem:$0x3FB3] =	sst s9;
	s0 =	simm.s32 @!p0 $0x0  }
0x12: {  	s1 =	sld [smem:$0x3F99];
	s0 =	simm.s32 @p0 $0x1  }
0x13: {  	[smem:$0x3FB4] =	sst s0;
	s0 =	simm.s32 @!p1 $0x0  }
0x14: {  	s2 =	sld [smem:$0x3F98];
	s0 =	simm.s32 @p1 $0x1  }
0x15: {  	[smem:$0x3FB5] =	sst s0;
	s0 =	simm.s32 @!p2 $0x0  }
0x16: {  	s3 =	sld [smem:$0x3FDB];
	s0 =	simm.s32 @p2 $0x1  }
0x17: {  	s4 =	simm.s32 $0x1BF5;
	[smem:$0x3FB7] =	sst s0  }
0x18: {  	s0 =	sld [smem:$0x3F9A];
	_ =	swait.ge [sflag:s4], $0x0  }
0x19: {  	s7 =	sld [smem:$0x3F9B]  }
0x1a: {  	s8 =	sadd.s32 $0xFFFFE003, lr  }
0x1b: {  	s9 =	sadd.s32 $0xFFFFFEF7, lr;
	s5 =	simm.s32 $0xFFFFFFFF;
	p2 =	slt.u32 s8, $0xFFFFF086  }
0x1c: {  	p1 =	slt.u32 s9, $0xF7A;
	s5 =	simm.s32 @!p2 $0x0  }
0x1d: {  	s5 =	simm.s32 @p1 $0x1;
	p0 =	seq.s32 s7, s2  }
0x1e: {  	s7 =	smul.u32 @!p0 $0xF7A, s2;
	p2 =	seq.s32 @!p0 s5, $0x0  }
0x1f: {  	s9 =	smul.u32 $0xF7A, s1;
	s8 =	simm.s32 @!p0 $0x1BF5;
	p2 =	por !p2, p0  }
0x20: {  	[sflag:s8] =	ssyncset.s32 @!p0 $0xFFFFF086;
	s6 =	sadd.s32 @!p0 s3, s7;
	s7 =	simm.s32 @!p0 $0x108  }
0x21: {  	s3 =	sadd.s32 s3, s9;
	s6 =	sadd.s32 @!p0 $0x88, s6;
	s7 =	simm.s32 @p2 $0x1082  }
0x22: {  	[simem:s7], [sflag:s8] =	dma.local @!p0 [hbm:s6], $0xF7A  }
0x23: {  	s9 =	sor.u32 $0xD0000000, s2;
	s6 =	simm.s32 $0x108;
	_ =	swait.ge @!p0 [sflag:s8], $0x0  }
0x24: {  	s3 =	sadd.s32 $0x88, s3;
	s6 =	simm.s32 @!p1 $0x1082;
	[sflag:s4] =	ssyncset.s32 $0xFFFFF086  }
0x25: {  	[simem:s6], [sflag:s4] =	dma.local [hbm:s3], $0xF7A  }
0x26: {  	[smem:$0x3F9B] =	sst s1;
	(tag) =	ssettag s2;
	_ =	strace s9  }
0x27: {  	s1 =	sld [smem:$0x3FAB]  }
0x28: {  	s2 =	sld [smem:$0x3FAC]  }
0x29: {  	s4 =	sld [smem:$0x3FAE]  }
0x2a: {  	p0 =	seq.s32 s5, $0x0;
	s5 =	sld [smem:$0x3FAF]  }
0x2b: {  	s6 =	sld [smem:$0x3FB0]  }
0x2c: {  	s7 =	sld [smem:$0x3FB1]  }
0x2d: {  	s3 =	simm.s32 $0x108;
	s8 =	sld [smem:$0x3FB2]  }
0x2e: {  	s3 =	simm.s32 @!p0 $0x1082;
	s9 =	sld [smem:$0x3FB3]  }
0x2f: {  	lr =	sadd.s32 s0, s3;
	s0 =	sld [smem:$0x3FAA]  }
0x30: {  	s3 =	sld [smem:$0x3FAD]  }
0x31: {  	[smem:$0x3FB6] =	sst s10  }
0x32: {  	s10 =	sld [smem:$0x3FB4];
	_ =	sdelay $0x3  }
0x33: {  	p0 =	seq.s32 s10, $0x1;
	s10 =	sld [smem:$0x3FB6];
	_ =	sdelay $0x3  }
0x34: {  	[smem:$0x3FB6] =	sst s10  }
0x35: {  	s10 =	sld [smem:$0x3FB5];
	_ =	sdelay $0x3  }
0x36: {  	p1 =	seq.s32 s10, $0x1;
	s10 =	sld [smem:$0x3FB6];
	_ =	sdelay $0x3  }
0x37: {  	[smem:$0x3FB6] =	sst s10  }
0x38: {  	s10 =	sld [smem:$0x3FB7]  }
0x39: {  	_ = 	snop;
	(pc) =	sbr.ind lr, $3  }
0x3a: {  	_ = 	snop  }
0x3b: {  	_ = 	snop  }
0x3c: {  	p2 =	seq.s32 s10, $0x1;
	s10 =	sld [smem:$0x3FB6]  }
0x3d: {  	_ =	shalt  }
0x3e: {  	_ =	shalt  }
0x3f: {  	_ =	shalt  }
0x40: {  	_ =	shalt  }
0x41: {  	_ =	shalt  }
0x42: {  	_ =	shalt  }
0x43: {  	_ =	shalt  }
0x44: {  	_ =	shalt  }
0x45: {  	_ =	shalt  }
0x46: {  	_ =	shalt  }
0x47: {  	_ =	shalt  }
0x48: {  	_ =	shalt  }
0x49: {  	_ =	shalt  }
0x4a: {  	_ =	shalt  }
0x4b: {  	_ =	shalt  }
0x4c: {  	_ =	shalt  }
0x4d: {  	_ =	shalt  }
0x4e: {  	_ =	shalt  }
0x4f: {  	_ =	shalt  }
0x50: {  	_ =	shalt  }
0x51: {  	_ =	shalt  }
0x52: {  	_ =	shalt  }
0x53: {  	_ =	shalt  }
0x54: {  	_ =	shalt  }
0x55: {  	_ =	shalt  }
0x56: {  	_ =	shalt  }
0x57: {  	_ =	shalt  }
0x58: {  	_ =	shalt  }
0x59: {  	_ =	shalt  }
0x5a: {  	_ =	shalt  }
0x5b: {  	_ =	shalt  }
0x5c: {  	_ =	shalt  }
0x5d: {  	_ =	shalt  }
0x5e: {  	_ =	shalt  }
0x5f: {  	_ =	shalt  }
0x60: {  	_ =	shalt  }
0x61: {  	_ =	shalt  }
0x62: {  	_ =	shalt  }
0x63: {  	_ =	shalt  }
0x64: {  	_ =	shalt  }
0x65: {  	_ =	shalt  }
0x66: {  	_ =	shalt  }
0x67: {  	_ =	shalt  }
0x68: {  	_ =	shalt  }
0x69: {  	_ =	shalt  }
0x6a: {  	_ =	shalt  }
0x6b: {  	_ =	shalt  }
0x6c: {  	_ =	shalt  }
0x6d: {  	_ =	shalt  }
0x6e: {  	_ =	shalt  }
0x6f: {  	_ =	shalt  }
0x70: {  	_ =	shalt  }
0x71: {  	_ =	shalt  }
0x72: {  	_ =	shalt  }
0x73: {  	_ =	shalt  }
0x74: {  	_ =	shalt  }
0x75: {  	_ =	shalt  }
0x76: {  	_ =	shalt  }
0x77: {  	_ =	shalt  }
0x78: {  	_ =	shalt  }
0x79: {  	_ =	shalt  }
0x7a: {  	_ =	shalt  }
0x7b: {  	_ =	shalt  }
0x7c: {  	_ =	shalt  }
0x7d: {  	_ =	shalt  }
0x7e: {  	_ =	shalt  }
0x7f: {  	_ =	shalt  }
0x80: {  	_ =	shalt  }
0x81: {  	_ =	shalt  }
0x82: {  	_ =	shalt  }
0x83: {  	_ =	shalt  }
0x84: {  	_ =	shalt  }
0x85: {  	_ =	shalt  }
0x86: {  	_ =	shalt  }
0x87: {  	_ =	shalt  }
.Lfunc_end0:
.L_simem_size_0:
called_computation_lowered:
.L_overlay_start_0:
0x88: {  	s2 =	sld [smem:$0x3FD9]  }
0x89: {  	s3 =	sld [smem:$0x3FFE];
	_ =	sdelay $0x1  }
0x8a: {  	s1 =	srdreg.scid  }
0x8b: {  	s0 =	sand.u32 $0x1, s1  }
0x8c: {  	s17 =	sshll.u32 s0, $0xA;
	s2 =	sadd.s32 s3, s2  }
0x8d: {  	s2 =	sadd.s32 s2, s17  }
0x8e: {  	[smem:$0x3FC2] =	sst s2  }
0x8f: {  	_ = 	snop  }
0x90: {  	s2 =	sld [smem:$0x3FD0];
	(tm) =	ssettm $0x1  }
0x91: {  	s18 =	sld [smem:$0x3FFB];
	_ =	sdelay $0x3  }
0x92: {  	_ =	strace s18  }
0x93: {  	s3 =	sld [smem:$0x3FFC];
	_ =	sdelay $0x3  }
0x94: {  	_ =	strace s3  }
0x95: {  	s3 =	sld [smem:$0x3FFD];
	_ =	sdelay $0x3  }
0x96: {  	_ =	strace s3  }
0x97: {  	_ =	strace $0x8FFFFFFF  }
0x98: {  	s19 =	sld [smem:$0x3FDB];
	_ =	sdelay $0x1  }
0x99: {  	s4 =	simm.s32 $_scs_section_size  }
0x9a: {  	s5 =	simm.s32 $_size__tile_overlayer_lowered;
	s6 =	simm.s32 $_tile_overlayer_lowered  }
0x9b: {  	s22 =	simm.s32 $0x1BFF;
	s21 =	sshll.u32 s6, $0x1;
	s3 =	sadd.s32 s4, s19  }
0x9c: {  	s7 =	simm.s32 $0x0;
	s20 =	sshll.u32 s5, $0x1;
	s5 =	sadd.s32 s21, s3  }
0x9d: {  	[timem:s7], [sflag:s22] =	dma.local [hbm:s5], s20  }
0x9e: {  	_ =	swait.ge [sflag:s22], s20  }
0x9f: {  	s4 =	ssub.s32 $0x0, s20;
	[sflag:s22] =	ssyncset.done $0x0  }
0xa0: {  	[sflag:s22] =	ssyncadd.s32 s4;
	_ =	sdelay $0x1  }
0xa1: {  	s23 =	simm.s32 $0x1B8B  }
0xa2: {  	_ =	swait.ge [sflag:s23], $0x1  }
0xa3: {  	[sflag:s23] =	ssyncset.done $0x0  }
0xa4: {  	s25 =	simm.s32 $0x1B8E;
	s24 =	sld [smem:$0x3FFE];
	[sflag:s23] =	ssyncadd.s32 $0xFFFFFFFF  }
0xa5: {  	s26 =	simm.s32 $execute0_lowered;
	[smem:$0x3FD2] =	sst s25  }
0xa6: {  	s5 =	sshll.u32 s26, $0x1;
	_ =	strace $0x80000046;
	[dreg:$0x1] =	wrdreg $0xFFFFFFFF  }
0xa7: {  	s28 =	simm.s32 $_size_execute0_lowered;
	s3 =	sadd.s32 s3, s5;
	[dreg:$0x0] =	wrdreg $0x0  }
0xa8: {  	s5 =	sshll.u32 s28, $0x1;
	[dreg:$0x2] =	wrdreg s3  }
0xa9: {  	[dreg:$0x3] =	wrdreg s5  }
0xaa: {  	[dreg:$0x4] =	wrdreg $0xC0  }
0xab: {  	_ =	task [dreg:s7], $0x5FFFF  }
0xac: {  	[dreg:$0x1] =	wrdreg $0xFFFFFFFF  }
0xad: {  	[dreg:$0x0] =	wrdreg $0x60  }
0xae: {  	[dreg:$0x2] =	wrdreg s24  }
0xaf: {  	[dreg:$0x3] =	wrdreg s2  }
0xb0: {  	[dreg:$0x4] =	wrdreg $0x2C100  }
0xb1: {  	[dreg:$0x5] =	wrdreg $0x9  }
0xb2: {  	_ =	task.clear_ibuf [dreg:s7], $0x6FFFF;
	_ =	strace $0x90000046  }
0xb3: {  	s29 =	simm.s32 $0x9;
	_ =	strace $0x80000048  }
0xb4: {  	_ =	swait.ge [sflag:s29], $0x1  }
0xb5: {  	[sflag:s29] =	ssyncadd.s32 $0xFFFFFFFF  }
0xb6: {  	_ =	strace $0x90000048  }
0xb7: {  	_ =	sfence  }
0xb8: {  	s30 =	sld [smem:$0x0];
	_ =	sdelay $0x2  }
0xb9: {  	s31 =	sshll.u32 s1, $0xD;
	s1 =	sshrl.u32 s1, $0x2  }
0xba: {  	s3 =	sand.u32 $0x4000, s31;
	s1 =	sadd.s32 s1, s30  }
0xbb: {  	s0 =	sor.u32 s3, s0;
	s1 =	sshll.u32 s1, $0x11  }
0xbc: {  	s0 =	sor.u32 s1, s0  }
0xbd: {  	s0 =	sadd.s32 $0x8F2B, s0  }
0xbe: {  	[sflag:s0] =	ssyncadd.remote.s32 $0x1  }
0xbf: {  	_ =	sfence.sel $0xFFFF  }
0xc0: {  	[dreg:$0x0] =	wrdreg $0xFFFFFFFF;
	(pc) =	sbr.abs _section_cstart, $3  }
0xc1: {  	[dreg:$0x1] =	wrdreg $0xFFFFFFFF  }
0xc2: {  	_ =	task.clear_ibuf [dreg:s7], $0x2FFFF;
	_ =	strace $0x9FFFFFFF  }
0xc3: {  	(tm) =	ssettm $0x7FFFFFFF  }
tec
execute0_lowered:
.L_overlay_start_1:
0x0: {  	(tag) =	ssettag $0x1  }
0x1: {  	s5 =	rddreg [dreg:$0x0]  }
0x2: {  	s1 =	srdreg.scid;
	s2 =	rddreg [dreg:$0x1]  }
0x3: {  	s0 =	stileid.u32;
	s3 =	rddreg [dreg:$0x2];
	s4 =	simm.s32 $0x0  }
0x4: {  	s13 =	simm.s32 $0x50;
	s14 =	simm.s32 $0x0;
	s6 =	sand.u32 $0x1, s1  }
0x5: {  	s30 =	sshll.u32 s0, $0x1;
	s8 =	smul.u32 $0x2800, s0;
	[smem:$0x7FF] =	sst s4  }
0x6: {  	s31 =	sshll.u32 s0, $0x6;
	s1 =	sor.u32 s6, s30;
	s9 =	smul.u32 $0x28000, s6  }
0x7: {  	s6 =	ssub.s32 $0x2, s6;
	s7 =	smul.u32 $0x4E2, s1;
	s1 =	rddreg [dreg:$0x3]  }
0x8: {  	_ =	strace $0x80000047;
	s10 =	sshrl.u32 s8, $0x3;
	s11 =	sshrl.u32 s6, $0x1  }
0x9: {  	s12 =	sadd.s32 s8, s3;
	s9 =	sadd.s32 s8, s9;
	s10 =	sadd.s32 s10, s5  }
0xa: {  	s11 =	ssub.s32 s6, s11;
	s12 =	sshrl.u32 s12, $0x3;
	s7 =	sadd.s32 s7, s5  }
0xb: {  	s9 =	sshrl.u32 s9, $0x3;
	s6 =	sadd.s32 $0x14E00, s10;
	s8 =	smax.u32 s11, $0x1  }
0xc: {  	s10 =	simm.s32 $0x2710;
	s11 =	sor.u32 $0x1C01, s31;
	s9 =	sadd.s32 s9, s5  }
0xd: {  	s5 =	sadd.s32 $0xB000, s7;
	s7 =	sadd.s32 $0x19E00, s9;
	s9 =	simm.s32 $0x1  }
.LBB2_1:
0xe: {  	[tilespmem:s4], [sflag:$0x1] =	stream.linear.gather [hbm4b:s5+s4], $0x2710, $0x38;
	[tilespmem:$0x5410] =	vst v63  }
0xf: {  	_ =	swait.ge [sflag:s9], $0x2710  }
0x10: {  	[sflag:s9] =	ssyncset.done $0x0  }
0x11: {  	[sflag:s9] =	ssyncadd.s32 $0xFFFFD8F0  }
0x12: {  	[tilespmem:s10], [sflag:$0x1] =	stream.linear.gather [hbm4b:s2+s4], $0x500, $0x38;
	[tilespmem:$0x5410] =	vst v63  }
0x13: {  	_ =	swait.ge [sflag:s9], $0x500  }
0x14: {  	[sflag:s9] =	ssyncset.done $0x0  }
0x15: {  	[sflag:s9] =	ssyncadd.s32 $0xFFFFFB00  }
0x16: {  	[spmem:s12], [sflag:s11] =	dma.local [hbm:s6], $0x500  }
0x17: {  	_ =	swait.ge [sflag:s9], $0x500  }
0x18: {  	[sflag:s9] =	ssyncset.done $0x0  }
0x19: {  	[sflag:s9] =	ssyncadd.s32 $0xFFFFFB00  }
0x1a: {  	s15 =	simm.s32 $0x0;
	[bflag:$0x0] =	sbarrier.arrive $0xFFFF  }
0x1b: {  	[spmem:s3] =	stream.indirect.scatter.add.f32 [tilespmem:s10], [sflag:$0x1], $0x10, s15, s13, $0xb8;
	[tilespmem:$0x5410] =	vst v63  }
0x1c: {  	_ =	swait.ge [sflag:s9], $0x500  }
0x1d: {  	s15 =	simm.s32 $0x140;
	[sflag:s9] =	ssyncset.done $0x0  }
.LBB2_2:
0x1e: {  	s16 =	sshra.s32 s15, $0x2;
	[sflag:s9] =	ssyncadd.s32 $0xFFFFFB00;
	p0 =	sne.s32 s15, $0x9B00  }
0x1f: {  	[spmem:s3] =	stream.indirect.scatter.add.f32 [tilespmem:s10], [sflag:$0x1], $0x10, s16, s13, $0xb8;
	[tilespmem:$0x5410] =	vst v63  }
.Ltmp0:
0x20: {  	_ = 	snop;
	(pc) =	sbr.rel @p0 .LBB2_2-.Ltmp0, $4  }
0x21: {  	_ = 	snop  }
0x22: {  	s15 =	sadd.s32 $0x140, s15  }
0x23: {  	_ =	swait.ge [sflag:s9], $0x500  }
0x24: {  	[sflag:s9] =	ssyncset.done $0x0  }
0x25: {  	s14 =	sadd.s32 $0x1, s14  }
0x26: {  	[sflag:s9] =	ssyncadd.s32 $0xFFFFFB00;
	p0 =	sne.s32 s14, s8  }
.Ltmp1:
0x27: {  	[bflag:$0x0] =	sbarrier.arrive $0xFFFF;
	(pc) =	sbr.rel @p0 .LBB2_1-.Ltmp1, $4  }
0x28: {  	[hbm:s7], [sflag:s11] =	dma.local [spmem:s12], $0x500  }
0x29: {  	_ =	swait.ge [sflag:s9], $0x500  }
0x2a: {  	[sflag:s9] =	ssyncset.done $0x0  }
0x2b: {  	[sflag:s9] =	ssyncadd.s32 $0xFFFFFB00  }
0x2c: {  	_ =	sfence.sel $0x180000  }
0x2d: {  	[bflag:$0x0] =	sbarrier.arrive $0xFFFF  }
0x2e: {  	p0 =	sne.s32 s0, $0x0;
	_ =	strace $0x90000047  }
0x2f: {  	s0 =	sadd.s32 @!p0 $0x100000, s1;
	[bflag:$0x2] =	sbarrier.arrive $0xFFFF  }
0x30: {  	[sflag:s0] =	ssyncadd.tile.s32 @!p0 $0x1;
	_ =	shalt  }
.Lfunc_end2:
_tile_overlayer_lowered:
.L_overlay_start_2:
0x31: {  	(tag) =	ssettag $0x2  }
0x32: {  	s0 =	rddreg [dreg:$0x0];
	s2 =	stileid.u32  }
0x33: {  	s1 =	rddreg [dreg:$0x1];
	p0 =	sne.s32 s2, $0x0  }
0x34: {  	s3 =	rddreg [dreg:$0x2];
	[bflag:$0x3] =	sbarrier.arrive $0xFFFF;
	s2 =	simm.s32 @!p0 $0x1C01  }
0x35: {  	[timem:s3], [sflag:s2] =	dma.local @!p0 [hbm:s0], s1  }
0x36: {  	s0 =	simm.s32 @!p0 $0x1  }
0x37: {  	_ =	swait.ge @!p0 [sflag:s0], s1  }
0x38: {  	s1 =	ssub.s32 @!p0 $0x0, s1;
	[sflag:s0] =	ssyncset.done @!p0 $0x0  }
0x39: {  	[sflag:s0] =	ssyncadd.s32 @!p0 s1  }
0x3a: {  	[bflag:$0x3] =	sbarrier.arrive $0xFFFF  }
0x3b: {  	_ =	shalt  }

// kernel: kernel.9.cloned.1.call-start
scs
__scs_entry_jumppad:
0x0: {  	(pc) =	sbr.rel $0x88, $3  }
0x1: {  	(tag) =	ssettag $0x0;
	lr =	simm.s32 $0x1  }
0x2: {  	[smem:$0x3F9B] =	sst lr;
	_ =	strace $0xD0000000  }
0x3: {  	_ = 	snop  }
0x4: {  	_ = 	snop  }
0x5: {  	_ = 	snop  }
0x6: {  	_ = 	snop  }
0x7: {  	_ = 	snop  }
__scs_overlays_trampoline_lowered:
0x8: {  	[smem:$0x3FAA] =	sst s0  }
0x9: {  	[smem:$0x3FAB] =	sst s1  }
0xa: {  	[smem:$0x3FAC] =	sst s2  }
0xb: {  	[smem:$0x3FAD] =	sst s3  }
0xc: {  	[smem:$0x3FAE] =	sst s4  }
0xd: {  	[smem:$0x3FAF] =	sst s5  }
0xe: {  	[smem:$0x3FB0] =	sst s6  }
0xf: {  	[smem:$0x3FB1] =	sst s7  }
0x10: {  	[smem:$0x3FB2] =	sst s8  }
0x11: {  	[smem:$0x3FB3] =	sst s9;
	s0 =	simm.s32 @!p0 $0x0  }
0x12: {  	s1 =	sld [smem:$0x3F99];
	s0 =	simm.s32 @p0 $0x1  }
0x13: {  	[smem:$0x3FB4] =	sst s0;
	s0 =	simm.s32 @!p1 $0x0  }
0x14: {  	s2 =	sld [smem:$0x3F98];
	s0 =	simm.s32 @p1 $0x1  }
0x15: {  	[smem:$0x3FB5] =	sst s0;
	s0 =	simm.s32 @!p2 $0x0  }
0x16: {  	s3 =	sld [smem:$0x3FDB];
	s0 =	simm.s32 @p2 $0x1  }
0x17: {  	s4 =	simm.s32 $0x1BF5;
	[smem:$0x3FB7] =	sst s0  }
0x18: {  	s0 =	sld [smem:$0x3F9A];
	_ =	swait.ge [sflag:s4], $0x0  }
0x19: {  	s7 =	sld [smem:$0x3F9B]  }
0x1a: {  	s8 =	sadd.s32 $0xFFFFE003, lr  }
0x1b: {  	s9 =	sadd.s32 $0xFFFFFEF7, lr;
	s5 =	simm.s32 $0xFFFFFFFF;
	p2 =	slt.u32 s8, $0xFFFFF086  }
0x1c: {  	p1 =	slt.u32 s9, $0xF7A;
	s5 =	simm.s32 @!p2 $0x0  }
0x1d: {  	s5 =	simm.s32 @p1 $0x1;
	p0 =	seq.s32 s7, s2  }
0x1e: {  	s7 =	smul.u32 @!p0 $0xF7A, s2;
	p2 =	seq.s32 @!p0 s5, $0x0  }
0x1f: {  	s9 =	smul.u32 $0xF7A, s1;
	s8 =	simm.s32 @!p0 $0x1BF5;
	p2 =	por !p2, p0  }
0x20: {  	[sflag:s8] =	ssyncset.s32 @!p0 $0xFFFFF086;
	s6 =	sadd.s32 @!p0 s3, s7;
	s7 =	simm.s32 @!p0 $0x108  }
0x21: {  	s3 =	sadd.s32 s3, s9;
	s6 =	sadd.s32 @!p0 $0x88, s6;
	s7 =	simm.s32 @p2 $0x1082  }
0x22: {  	[simem:s7], [sflag:s8] =	dma.local @!p0 [hbm:s6], $0xF7A  }
0x23: {  	s9 =	sor.u32 $0xD0000000, s2;
	s6 =	simm.s32 $0x108;
	_ =	swait.ge @!p0 [sflag:s8], $0x0  }
0x24: {  	s3 =	sadd.s32 $0x88, s3;
	s6 =	simm.s32 @!p1 $0x1082;
	[sflag:s4] =	ssyncset.s32 $0xFFFFF086  }
0x25: {  	[simem:s6], [sflag:s4] =	dma.local [hbm:s3], $0xF7A  }
0x26: {  	[smem:$0x3F9B] =	sst s1;
	(tag) =	ssettag s2;
	_ =	strace s9  }
0x27: {  	s1 =	sld [smem:$0x3FAB]  }
0x28: {  	s2 =	sld [smem:$0x3FAC]  }
0x29: {  	s4 =	sld [smem:$0x3FAE]  }
0x2a: {  	p0 =	seq.s32 s5, $0x0;
	s5 =	sld [smem:$0x3FAF]  }
0x2b: {  	s6 =	sld [smem:$0x3FB0]  }
0x2c: {  	s7 =	sld [smem:$0x3FB1]  }
0x2d: {  	s3 =	simm.s32 $0x108;
	s8 =	sld [smem:$0x3FB2]  }
0x2e: {  	s3 =	simm.s32 @!p0 $0x1082;
	s9 =	sld [smem:$0x3FB3]  }
0x2f: {  	lr =	sadd.s32 s0, s3;
	s0 =	sld [smem:$0x3FAA]  }
0x30: {  	s3 =	sld [smem:$0x3FAD]  }
0x31: {  	[smem:$0x3FB6] =	sst s10  }
0x32: {  	s10 =	sld [smem:$0x3FB4];
	_ =	sdelay $0x3  }
0x33: {  	p0 =	seq.s32 s10, $0x1;
	s10 =	sld [smem:$0x3FB6];
	_ =	sdelay $0x3  }
0x34: {  	[smem:$0x3FB6] =	sst s10  }
0x35: {  	s10 =	sld [smem:$0x3FB5];
	_ =	sdelay $0x3  }
0x36: {  	p1 =	seq.s32 s10, $0x1;
	s10 =	sld [smem:$0x3FB6];
	_ =	sdelay $0x3  }
0x37: {  	[smem:$0x3FB6] =	sst s10  }
0x38: {  	s10 =	sld [smem:$0x3FB7]  }
0x39: {  	_ = 	snop;
	(pc) =	sbr.ind lr, $3  }
0x3a: {  	_ = 	snop  }
0x3b: {  	_ = 	snop  }
0x3c: {  	p2 =	seq.s32 s10, $0x1;
	s10 =	sld [smem:$0x3FB6]  }
0x3d: {  	_ =	shalt  }
0x3e: {  	_ =	shalt  }
0x3f: {  	_ =	shalt  }
0x40: {  	_ =	shalt  }
0x41: {  	_ =	shalt  }
0x42: {  	_ =	shalt  }
0x43: {  	_ =	shalt  }
0x44: {  	_ =	shalt  }
0x45: {  	_ =	shalt  }
0x46: {  	_ =	shalt  }
0x47: {  	_ =	shalt  }
0x48: {  	_ =	shalt  }
0x49: {  	_ =	shalt  }
0x4a: {  	_ =	shalt  }
0x4b: {  	_ =	shalt  }
0x4c: {  	_ =	shalt  }
0x4d: {  	_ =	shalt  }
0x4e: {  	_ =	shalt  }
0x4f: {  	_ =	shalt  }
0x50: {  	_ =	shalt  }
0x51: {  	_ =	shalt  }
0x52: {  	_ =	shalt  }
0x53: {  	_ =	shalt  }
0x54: {  	_ =	shalt  }
0x55: {  	_ =	shalt  }
0x56: {  	_ =	shalt  }
0x57: {  	_ =	shalt  }
0x58: {  	_ =	shalt  }
0x59: {  	_ =	shalt  }
0x5a: {  	_ =	shalt  }
0x5b: {  	_ =	shalt  }
0x5c: {  	_ =	shalt  }
0x5d: {  	_ =	shalt  }
0x5e: {  	_ =	shalt  }
0x5f: {  	_ =	shalt  }
0x60: {  	_ =	shalt  }
0x61: {  	_ =	shalt  }
0x62: {  	_ =	shalt  }
0x63: {  	_ =	shalt  }
0x64: {  	_ =	shalt  }
0x65: {  	_ =	shalt  }
0x66: {  	_ =	shalt  }
0x67: {  	_ =	shalt  }
0x68: {  	_ =	shalt  }
0x69: {  	_ =	shalt  }
0x6a: {  	_ =	shalt  }
0x6b: {  	_ =	shalt  }
0x6c: {  	_ =	shalt  }
0x6d: {  	_ =	shalt  }
0x6e: {  	_ =	shalt  }
0x6f: {  	_ =	shalt  }
0x70: {  	_ =	shalt  }
0x71: {  	_ =	shalt  }
0x72: {  	_ =	shalt  }
0x73: {  	_ =	shalt  }
0x74: {  	_ =	shalt  }
0x75: {  	_ =	shalt  }
0x76: {  	_ =	shalt  }
0x77: {  	_ =	shalt  }
0x78: {  	_ =	shalt  }
0x79: {  	_ =	shalt  }
0x7a: {  	_ =	shalt  }
0x7b: {  	_ =	shalt  }
0x7c: {  	_ =	shalt  }
0x7d: {  	_ =	shalt  }
0x7e: {  	_ =	shalt  }
0x7f: {  	_ =	shalt  }
0x80: {  	_ =	shalt  }
0x81: {  	_ =	shalt  }
0x82: {  	_ =	shalt  }
0x83: {  	_ =	shalt  }
0x84: {  	_ =	shalt  }
0x85: {  	_ =	shalt  }
0x86: {  	_ =	shalt  }
0x87: {  	_ =	shalt  }
.Lfunc_end0:
.L_simem_size_0:
called_computation.1_lowered:
.L_overlay_start_0:
0x88: {  	s2 =	sld [smem:$0x3FD9]  }
0x89: {  	s3 =	sld [smem:$0x3FFE];
	_ =	sdelay $0x1  }
0x8a: {  	s1 =	srdreg.scid  }
0x8b: {  	s0 =	sand.u32 $0x1, s1  }
0x8c: {  	s16 =	sshll.u32 s0, $0xA;
	s2 =	sadd.s32 s3, s2  }
0x8d: {  	s2 =	sadd.s32 s2, s16  }
0x8e: {  	[smem:$0x3FC2] =	sst s2  }
0x8f: {  	_ = 	snop  }
0x90: {  	(tm) =	ssettm $0x1  }
0x91: {  	s17 =	sld [smem:$0x3FFB];
	_ =	sdelay $0x3  }
0x92: {  	_ =	strace s17  }
0x93: {  	s2 =	sld [smem:$0x3FFC];
	_ =	sdelay $0x3  }
0x94: {  	_ =	strace s2  }
0x95: {  	s2 =	sld [smem:$0x3FFD];
	_ =	sdelay $0x3  }
0x96: {  	_ =	strace s2  }
0x97: {  	_ =	strace $0x8FFFFFFF  }
0x98: {  	s18 =	sld [smem:$0x3FDB];
	_ =	sdelay $0x1  }
0x99: {  	s19 =	simm.s32 $_scs_section_size  }
0x9a: {  	s4 =	simm.s32 $_size__tile_overlayer_lowered;
	s5 =	simm.s32 $_tile_overlayer_lowered  }
0x9b: {  	s22 =	simm.s32 $0x1BFF;
	s21 =	sshll.u32 s5, $0x1;
	s2 =	sadd.s32 s19, s18  }
0x9c: {  	s6 =	simm.s32 $0x0;
	s20 =	sshll.u32 s4, $0x1;
	s4 =	sadd.s32 s21, s2  }
0x9d: {  	[timem:s6], [sflag:s22] =	dma.local [hbm:s4], s20  }
0x9e: {  	_ =	swait.ge [sflag:s22], s20  }
0x9f: {  	s3 =	ssub.s32 $0x0, s20;
	[sflag:s22] =	ssyncset.done $0x0  }
0xa0: {  	[sflag:s22] =	ssyncadd.s32 s3;
	_ =	sdelay $0x1  }
0xa1: {  	s23 =	simm.s32 $0x1B8B  }
0xa2: {  	_ =	swait.ge [sflag:s23], $0x1  }
0xa3: {  	[sflag:s23] =	ssyncset.done $0x0  }
0xa4: {  	s25 =	simm.s32 $0x1B8E;
	s24 =	sld [smem:$0x3FFE];
	[sflag:s23] =	ssyncadd.s32 $0xFFFFFFFF  }
0xa5: {  	s26 =	simm.s32 $execute0_lowered;
	[smem:$0x3FD2] =	sst s25  }
0xa6: {  	s4 =	sshll.u32 s26, $0x1;
	_ =	strace $0x80000049;
	[dreg:$0x1] =	wrdreg $0xFFFFFFFF  }
0xa7: {  	s28 =	simm.s32 $_size_execute0_lowered;
	s2 =	sadd.s32 s2, s4;
	[dreg:$0x0] =	wrdreg $0x0  }
0xa8: {  	s4 =	sshll.u32 s28, $0x1;
	[dreg:$0x2] =	wrdreg s2  }
0xa9: {  	[dreg:$0x3] =	wrdreg s4  }
0xaa: {  	[dreg:$0x4] =	wrdreg $0xC0  }
0xab: {  	_ =	task [dreg:s6], $0x5FFFF  }
0xac: {  	[dreg:$0x1] =	wrdreg $0xFFFFFFFF  }
0xad: {  	[dreg:$0x0] =	wrdreg $0x60  }
0xae: {  	[dreg:$0x2] =	wrdreg s24  }
0xaf: {  	[dreg:$0x3] =	wrdreg $0x76200  }
0xb0: {  	[dreg:$0x4] =	wrdreg $0x9  }
0xb1: {  	_ =	task.clear_ibuf [dreg:s6], $0x5FFFF;
	_ =	strace $0x90000049  }
0xb2: {  	s29 =	simm.s32 $0x9;
	_ =	strace $0x8000004B  }
0xb3: {  	_ =	swait.ge [sflag:s29], $0x1  }
0xb4: {  	[sflag:s29] =	ssyncadd.s32 $0xFFFFFFFF  }
0xb5: {  	_ =	strace $0x9000004B  }
0xb6: {  	_ =	sfence  }
0xb7: {  	s30 =	sld [smem:$0x0];
	_ =	sdelay $0x2  }
0xb8: {  	s31 =	sshll.u32 s1, $0xD;
	s1 =	sshrl.u32 s1, $0x2  }
0xb9: {  	s3 =	sand.u32 $0x4000, s31;
	s1 =	sadd.s32 s1, s30  }
0xba: {  	s0 =	sor.u32 s3, s0;
	s1 =	sshll.u32 s1, $0x11  }
0xbb: {  	s0 =	sor.u32 s1, s0  }
0xbc: {  	s0 =	sadd.s32 $0x8F2B, s0  }
0xbd: {  	[sflag:s0] =	ssyncadd.remote.s32 $0x1  }
0xbe: {  	_ =	sfence.sel $0xFFFF  }
0xbf: {  	[dreg:$0x0] =	wrdreg $0xFFFFFFFF;
	(pc) =	sbr.abs _section_cstart, $3  }
0xc0: {  	[dreg:$0x1] =	wrdreg $0xFFFFFFFF  }
0xc1: {  	_ =	task.clear_ibuf [dreg:s6], $0x2FFFF;
	_ =	strace $0x9FFFFFFF  }
0xc2: {  	(tm) =	ssettm $0x7FFFFFFF  }
0xc3: {  	_ =	shalt  }
tec
execute0_lowered:
.L_overlay_start_1:
0x0: {  	(tag) =	ssettag $0x1  }
0x1: {  	s1 =	srdreg.scid  }
0x2: {  	s0 =	stileid.u32;
	s6 =	rddreg [dreg:$0x0]  }
0x3: {  	s2 =	rddreg [dreg:$0x1];
	s3 =	simm.s32 $0x0;
	s14 =	simm.s32 $0x50  }
0x4: {  	s15 =	simm.s32 $0x4E20;
	s16 =	simm.s32 $0x6220;
	s17 =	simm.s32 $0x1  }
0x5: {  	s18 =	simm.s32 $0x2;
	s19 =	simm.s32 $0x4DD0;
	s20 =	simm.s32 $0x0  }
0x6: {  	s5 =	sand.u32 $0x1, s1;
	s31 =	sshll.u32 s0, $0x1;
	s8 =	smul.u32 $0xA000, s0  }
0x7: {  	[smem:$0x7FF] =	sst s3;
	s4 =	sadd.s32 $0x14E00, s6;
	s12 =	sshll.u32 s0, $0x6  }
0x8: {  	s1 =	sor.u32 s5, s31;
	s9 =	smul.u32 $0xA0000, s5;
	s5 =	ssub.s32 $0x2, s5  }
0x9: {  	s12 =	sor.u32 $0x1C03, s12;
	s7 =	smul.u32 $0x4E2, s1;
	s1 =	rddreg [dreg:$0x2]  }
0xa: {  	_ =	strace $0x8000004A;
	s10 =	sshrl.u32 s8, $0x3;
	s11 =	sshrl.u32 s5, $0x1  }
0xb: {  	s13 =	sadd.s32 s8, s2;
	s9 =	sadd.s32 s8, s9;
	s10 =	sadd.s32 s10, s6  }
0xc: {  	s11 =	ssub.s32 s5, s11;
	s7 =	sadd.s32 s7, s6;
	s9 =	sshrl.u32 s9, $0x3  }
0xd: {  	s13 =	sshrl.u32 s13, $0x3;
	s9 =	sadd.s32 s9, s6;
	s5 =	sadd.s32 $0x1200, s7  }
0xe: {  	s6 =	sadd.s32 $0xB000, s7;
	s7 =	sadd.s32 $0x28E00, s10;
	s10 =	simm.s32 $0x3  }
0xf: {  	s8 =	sadd.s32 $0x3CE00, s9;
	s9 =	smax.u32 s11, $0x1;
	s11 =	simm.s32 $0x2710  }
.LBB2_1:
0x10: {  	[tilespmem:s3], [sflag:$0x3] =	stream.linear.gather [hbm4b:s5+s3], $0x2710, $0x38;
	[tilespmem:$0x11620] =	vst v63  }
0x11: {  	_ =	swait.ge [sflag:s10], $0x2710  }
0x12: {  	[sflag:s10] =	ssyncset.done $0x0  }
0x13: {  	[sflag:s10] =	ssyncadd.s32 $0xFFFFD8F0  }
0x14: {  	[tilespmem:s11], [sflag:$0x3] =	stream.linear.gather [hbm4b:s6+s3], $0x2710, $0x38;
	[tilespmem:$0x11620] =	vst v63  }
0x15: {  	_ =	swait.ge [sflag:s10], $0x2710  }
0x16: {  	[sflag:s10] =	ssyncset.done $0x0  }
0x17: {  	[sflag:s10] =	ssyncadd.s32 $0xFFFFD8F0  }
0x18: {  	[spmem:s13], [sflag:s12] =	dma.local [hbm:s7], $0x1400  }
0x19: {  	_ =	swait.ge [sflag:s10], $0x1400  }
0x1a: {  	[sflag:s10] =	ssyncset.done $0x0  }
0x1b: {  	[sflag:s10] =	ssyncadd.s32 $0xFFFFEC00  }
0x1c: {  	[bflag:$0x0] =	sbarrier.arrive $0xFFFF  }
0x1d: {  	[tilespmem:s15], [sflag:$0x1] =	stream.indirect.gather [hbm4b:s4+s14], $0x40, s3, s14, $0xb8;
	[tilespmem:$0x11620] =	vst v63  }
0x1e: {  	s21 =	simm.s32 $0x50  }
0x1f: {  	[tilespmem:s16], [sflag:$0x2] =	stream.indirect.gather [hbm4b:s4+s14], $0x40, s21, s14, $0xb8;
	[tilespmem:$0x11620] =	vst v63  }
0x20: {  	_ =	swait.ge [sflag:s17], $0x1400  }
0x21: {  	[sflag:s17] =	ssyncset.done $0x0  }
0x22: {  	s29 =	simm.s32 $0x2710;
	[sflag:s17] =	ssyncadd.s32 $0xFFFFEC00  }
0x23: {  	[spmem:s2] =	stream.indirect.scatter.add.f32 [tilespmem:s15], [sflag:$0x3], $0x40, s29, s14, $0xb8;
	[tilespmem:$0x11620] =	vst v63  }
0x24: {  	_ =	swait.ge [sflag:s10], $0x1400  }
0x25: {  	[sflag:s10] =	ssyncset.done $0x0  }
0x26: {  	s30 =	simm.s32 $0xA0;
	[sflag:s10] =	ssyncadd.s32 $0xFFFFEC00  }
0x27: {  	[tilespmem:s15], [sflag:$0x1] =	stream.indirect.gather [hbm4b:s4+s14], $0x40, s30, s14, $0xb8;
	[tilespmem:$0x11620] =	vst v63  }
0x28: {  	_ =	swait.ge [sflag:s18], $0x1400  }
0x29: {  	[sflag:s18] =	ssyncset.done $0x0  }
0x2a: {  	s31 =	simm.s32 $0x2760;
	[sflag:s18] =	ssyncadd.s32 $0xFFFFEC00  }
0x2b: {  	[spmem:s2] =	stream.indirect.scatter.add.f32 [tilespmem:s16], [sflag:$0x3], $0x40, s31, s14, $0xb8;
	[tilespmem:$0x11620] =	vst v63  }
0x2c: {  	_ =	swait.ge [sflag:s10], $0x1400  }
0x2d: {  	s22 =	simm.s32 $0x500;
	s21 =	simm.s32 $0xA0;
	[sflag:s10] =	ssyncset.done $0x0  }
.LBB2_2:
0x2e: {  	s23 =	sadd.s32 $0x50, s21  }
0x2f: {  	[sflag:s10] =	ssyncadd.s32 $0xFFFFEC00;
	s24 =	smov.u32 s22;
	s25 =	sadd.s32 $0x280, s22  }
0x30: {  	[tilespmem:s16], [sflag:$0x2] =	stream.indirect.gather [hbm4b:s4+s14], $0x40, s23, s14, $0xb8;
	[tilespmem:$0x11620] =	vst v63  }
0x31: {  	p0 =	sne.s32 s22, $0x9880;
	_ =	swait.ge [sflag:s17], $0x1400  }
0x32: {  	[sflag:s17] =	ssyncset.done $0x0  }
0x33: {  	s22 =	sadd.s32 $0x2710, s21;
	[sflag:s17] =	ssyncadd.s32 $0xFFFFEC00  }
0x34: {  	[spmem:s2] =	stream.indirect.scatter.add.f32 [tilespmem:s15], [sflag:$0x3], $0x40, s22, s14, $0xb8;
	[tilespmem:$0x11620] =	vst v63  }
0x35: {  	_ =	swait.ge [sflag:s10], $0x1400  }
0x36: {  	[sflag:s10] =	ssyncset.done $0x0  }
0x37: {  	s22 =	sadd.s32 $0xA0, s21;
	[sflag:s10] =	ssyncadd.s32 $0xFFFFEC00  }
0x38: {  	[tilespmem:s15], [sflag:$0x1] =	stream.indirect.gather [hbm4b:s4+s14], $0x40, s22, s14, $0xb8;
	[tilespmem:$0x11620] =	vst v63  }
0x39: {  	_ =	swait.ge [sflag:s18], $0x1400  }
.Ltmp0:
0x3a: {  	[sflag:s18] =	ssyncset.done $0x0;
	(pc) =	sbr.rel @p0 .LBB2_2-.Ltmp0, $4  }
0x3b: {  	s21 =	sadd.s32 $0x2760, s21;
	[sflag:s18] =	ssyncadd.s32 $0xFFFFEC00  }
0x3c: {  	[spmem:s2] =	stream.indirect.scatter.add.f32 [tilespmem:s16], [sflag:$0x3], $0x40, s21, s14, $0xb8;
	[tilespmem:$0x11620] =	vst v63  }
0x3d: {  	_ =	swait.ge [sflag:s10], $0x1400  }
0x3e: {  	s22 =	smov.u32 s25;
	s21 =	sshra.s32 s24, $0x2;
	[sflag:s10] =	ssyncset.done $0x0  }
0x3f: {  	s22 =	sadd.s32 $0x50, s21;
	[sflag:s10] =	ssyncadd.s32 $0xFFFFEC00  }
0x40: {  	[tilespmem:s16], [sflag:$0x2] =	stream.indirect.gather [hbm4b:s4+s14], $0x40, s22, s14, $0xb8;
	[tilespmem:$0x11620] =	vst v63  }
0x41: {  	_ =	swait.ge [sflag:s17], $0x1400  }
0x42: {  	[sflag:s17] =	ssyncset.done $0x0  }
0x43: {  	s29 =	sadd.s32 $0x2710, s21;
	[sflag:s17] =	ssyncadd.s32 $0xFFFFEC00  }
0x44: {  	[spmem:s2] =	stream.indirect.scatter.add.f32 [tilespmem:s15], [sflag:$0x3], $0x40, s29, s14, $0xb8;
	[tilespmem:$0x11620] =	vst v63  }
0x45: {  	_ =	swait.ge [sflag:s10], $0x1400  }
0x46: {  	[sflag:s10] =	ssyncset.done $0x0  }
0x47: {  	s30 =	sadd.s32 $0xA0, s21;
	[sflag:s10] =	ssyncadd.s32 $0xFFFFEC00  }
0x48: {  	[tilespmem:s15], [sflag:$0x1] =	stream.indirect.gather [hbm4b:s4+s14], $0x40, s30, s14, $0xb8;
	[tilespmem:$0x11620] =	vst v63  }
0x49: {  	_ =	swait.ge [sflag:s18], $0x1400  }
0x4a: {  	[sflag:s18] =	ssyncset.done $0x0  }
0x4b: {  	s31 =	sadd.s32 $0x2760, s21;
	[sflag:s18] =	ssyncadd.s32 $0xFFFFEC00  }
0x4c: {  	[spmem:s2] =	stream.indirect.scatter.add.f32 [tilespmem:s16], [sflag:$0x3], $0x40, s31, s14, $0xb8;
	[tilespmem:$0x11620] =	vst v63  }
0x4d: {  	_ =	swait.ge [sflag:s10], $0x1400  }
0x4e: {  	[sflag:s10] =	ssyncset.done $0x0  }
0x4f: {  	[sflag:s10] =	ssyncadd.s32 $0xFFFFEC00  }
0x50: {  	_ =	swait.ge [sflag:s17], $0x1400  }
0x51: {  	[sflag:s17] =	ssyncset.done $0x0  }
0x52: {  	[sflag:s17] =	ssyncadd.s32 $0xFFFFEC00  }
0x53: {  	[spmem:s2] =	stream.indirect.scatter.add.f32 [tilespmem:s15], [sflag:$0x3], $0x40, s19, s14, $0xb8;
	[tilespmem:$0x11620] =	vst v63  }
0x54: {  	_ =	swait.ge [sflag:s10], $0x1400  }
0x55: {  	s20 =	sadd.s32 $0x1, s20;
	[sflag:s10] =	ssyncset.done $0x0  }
0x56: {  	p0 =	sne.s32 s20, s9;
	[sflag:s10] =	ssyncadd.s32 $0xFFFFEC00  }
.Ltmp1:
0x57: {  	[bflag:$0x0] =	sbarrier.arrive $0xFFFF;
	(pc) =	sbr.rel @p0 .LBB2_1-.Ltmp1, $4  }
0x58: {  	[hbm:s8], [sflag:s12] =	dma.local [spmem:s13], $0x1400  }
0x59: {  	_ =	swait.ge [sflag:s10], $0x1400  }
0x5a: {  	[sflag:s10] =	ssyncset.done $0x0  }
0x5b: {  	[sflag:s10] =	ssyncadd.s32 $0xFFFFEC00  }
0x5c: {  	_ =	sfence.sel $0x180000  }
0x5d: {  	[bflag:$0x0] =	sbarrier.arrive $0xFFFF  }
0x5e: {  	p0 =	sne.s32 s0, $0x0;
	_ =	strace $0x9000004A  }
0x5f: {  	s0 =	sadd.s32 @!p0 $0x100000, s1;
	[bflag:$0x2] =	sbarrier.arrive $0xFFFF  }
0x60: {  	[sflag:s0] =	ssyncadd.tile.s32 @!p0 $0x1;
	_ =	shalt  }
.Lfunc_end2:
_tile_overlayer_lowered:
.L_overlay_start_2:
0x61: {  	(tag) =	ssettag $0x2  }
0x62: {  	s0 =	rddreg [dreg:$0x0];
	s2 =	stileid.u32  }
0x63: {  	s1 =	rddreg [dreg:$0x1];
	p0 =	sne.s32 s2, $0x0  }
0x64: {  	s3 =	rddreg [dreg:$0x2];
	[bflag:$0x3] =	sbarrier.arrive $0xFFFF;
	s2 =	simm.s32 @!p0 $0x1C03  }
0x65: {  	[timem:s3], [sflag:s2] =	dma.local @!p0 [hbm:s0], s1  }
0x66: {  	s0 =	simm.s32 @!p0 $0x3  }
0x67: {  	_ =	swait.ge @!p0 [sflag:s0], s1  }
0x68: {  	s1 =	ssub.s32 @!p0 $0x0, s1;
	[sflag:s0] =	ssyncset.done @!p0 $0x0  }
0x69: {  	[sflag:s0] =	ssyncadd.s32 @!p0 s1  }
0x6a: {  	[bflag:$0x3] =	sbarrier.arrive $0xFFFF  }
0x6b: {  	_ =	shalt  }

</sc_bundles>
